<compile_context>
chip_gen: v7x
topology: tpu7x:2x2x1
jax: 0.10.2.dev20260603
libtpu: 0.0.44.dev20260713+nightly
codegen_flags: <defaults>
</compile_context>

<pallas_src>
import jax
import jax.numpy as jnp
from jax import lax
from jax.experimental import pallas as pl
from jax.experimental.pallas import tpu as pltpu
from jax.experimental.pallas import tpu_sc as plsc

NC = 2
NS = 16
NW = NC * NS
CHUNK = 128
LANES = 16
KMAX = 8
WIDE = 128



def _make_sc_agg(n_pad, ngroups, k, d, count_mode, ow=WIDE):
    rpt = n_pad // NS
    gpt = ngroups // NW
    rows = k * CHUNK
    mesh = plsc.VectorSubcoreMesh(core_axis_name="c", subcore_axis_name="s")

    scratch = [
        pltpu.VMEM_SHARED((n_pad, d), jnp.float32),
        pltpu.VMEM((rows, d), jnp.float32),
        pltpu.VMEM((rows, d), jnp.float32),
        pltpu.VMEM((gpt, 1, rows), jnp.int32),
        pltpu.VMEM((gpt, 1, rows), jnp.int32),
        pltpu.SemaphoreType.DMA,
        pltpu.SemaphoreType.DMA,
    ]

    def body(*refs):
        if count_mode:
            (row_hbm, col_hbm, out_hbm,
             acc, buf0, buf1, ridx, cidx, sem0, sem1) = refs
            p_hbm = None
        else:
            (p_hbm, row_hbm, col_hbm, out_hbm,
             acc, buf0, buf1, ridx, cidx, sem0, sem1) = refs
        c = lax.axis_index("c")
        s = lax.axis_index("s")
        g = c * NS + s

        def fill_row(i, _):
            def fill_col(j, _):
                buf1[i, pl.ds(j * LANES, LANES)] = jnp.zeros(
                    (LANES,), jnp.float32)
                if count_mode:
                    buf0[i, pl.ds(j * LANES, LANES)] = jnp.ones(
                        (LANES,), jnp.float32)
                return 0
            return lax.fori_loop(0, d // LANES, fill_col, 0)
        lax.fori_loop(0, rows, fill_row, 0)

        def zacc(i, _):
            pltpu.sync_copy(buf1.at[pl.ds(0, CHUNK)],
                            acc.at[pl.ds(s * rpt + i * CHUNK, CHUNK)])
            return 0
        lax.fori_loop(0, rpt // CHUNK, zacc, 0)

        if not count_mode:
            pltpu.sync_copy(row_hbm.at[pl.ds(g * gpt, gpt)], ridx)
        pltpu.sync_copy(col_hbm.at[pl.ds(g * gpt, gpt)], cidx)
        plsc.subcore_barrier()

        if count_mode:
            def edge(j, _):
                pltpu.async_copy(buf0, acc.at[cidx.at[j, 0]], sem0, add=True)
                return 0
            lax.fori_loop(0, gpt, edge, 0)

            def drain(j, _):
                pltpu.make_async_copy(
                    buf0, acc.at[cidx.at[j, 0]], sem0).wait()
                return 0
            lax.fori_loop(0, gpt, drain, 0)
        else:
            pltpu.async_copy(p_hbm.at[ridx.at[0, 0]], buf0, sem0)

            def pair(t, _):
                j0 = 2 * t
                pltpu.make_async_copy(
                    p_hbm.at[ridx.at[j0, 0]], buf0, sem0).wait()

                @pl.when(j0 + 1 < gpt)
                def _():
                    pltpu.async_copy(p_hbm.at[ridx.at[j0 + 1, 0]], buf1, sem1)
                pltpu.sync_copy(buf0, acc.at[cidx.at[j0, 0]], add=True)

                @pl.when(j0 + 1 < gpt)
                def _():
                    pltpu.make_async_copy(
                        p_hbm.at[ridx.at[j0 + 1, 0]], buf1, sem1).wait()

                    @pl.when(j0 + 2 < gpt)
                    def _():
                        pltpu.async_copy(
                            p_hbm.at[ridx.at[j0 + 2, 0]], buf0, sem0)
                    pltpu.sync_copy(buf1, acc.at[cidx.at[j0 + 1, 0]], add=True)
                return 0
            lax.fori_loop(0, (gpt + 1) // 2, pair, 0)
        plsc.subcore_barrier()

        rows_slc = pl.ds(s * rpt, rpt)
        if ow < d:
            pltpu.sync_copy(acc.at[rows_slc, pl.ds(0, ow)],
                            out_hbm.at[c, rows_slc])
        elif ow == d:
            pltpu.sync_copy(acc.at[rows_slc], out_hbm.at[c, rows_slc])
        else:
            pltpu.sync_copy(acc.at[rows_slc],
                            out_hbm.at[c, rows_slc, pl.ds(0, d)])

    return pl.kernel(
        body,
        out_type=jax.ShapeDtypeStruct((NC, n_pad, ow), jnp.float32),
        mesh=mesh,
        scratch_types=scratch,
        compiler_params=pltpu.CompilerParams(use_tc_tiling_on_sc=False),
    )



def _mm1_body(x_ref, w_ref, cnt_ref, p_ref, dis_ref):
    deg = cnt_ref[0, :, 0] + cnt_ref[1, :, 0] + 1.0
    dis = lax.rsqrt(deg)[:, None]
    h = jnp.dot(x_ref[...], w_ref[...], preferred_element_type=jnp.float32)
    p_ref[...] = h * dis
    dis_ref[...] = dis


def _make_fuse_body(d):
    def _fuse_body(agg_ref, p_ref, dis_ref, b_ref, g_ref, be_ref, w_ref,
                   out_ref):
        dis = dis_ref[...]
        u = ((agg_ref[0, :, :d] + agg_ref[1, :, :d] + p_ref[...]) * dis
             + b_ref[...][None, :])
        mu = jnp.mean(u, axis=-1, keepdims=True)
        uc = u - mu
        var = jnp.mean(uc * uc, axis=-1, keepdims=True)
        v = (uc * lax.rsqrt(var + 1e-5) * g_ref[...][None, :]
             + be_ref[...][None, :])
        w = jnp.where(v > 0, v, jnp.exp(v) - 1.0)
        out_ref[...] = jnp.dot(w, w_ref[...],
                               preferred_element_type=jnp.float32) * dis
    return _fuse_body


def _fin_body(agg_ref, p_ref, dis_ref, b_ref, out_ref):
    u = ((agg_ref[0, :, :2] + agg_ref[1, :, :2] + p_ref[:, :2])
         * dis_ref[...] + b_ref[...][None, :2])
    m = jnp.max(u, axis=-1, keepdims=True)
    e = jnp.exp(u - m)
    out_ref[...] = u - m - jnp.log(jnp.sum(e, axis=-1, keepdims=True))



def kernel(x, edge_index, W1, b1, g1, be1, W2, b2, g2, be2, W3, b3):
    n, d_in = x.shape
    e = edge_index.shape[1]
    n_pad = ((n + NW * LANES - 1) // (NW * LANES)) * (NW * LANES)
    d1o, d2o, d3o = W1.shape[1], W2.shape[1], W3.shape[1]
    d3p = LANES

    row = edge_index[0].astype(jnp.int32)
    col = edge_index[1].astype(jnp.int32)
    estep = NW * CHUNK * KMAX
    e_pad = ((e + estep - 1) // estep) * estep
    if e_pad != e:
        ar = jnp.arange(e_pad - e, dtype=jnp.int32)
        row = jnp.concatenate([row, ar % jnp.int32(n)])
        col = jnp.concatenate([col, jnp.int32(n) + ar % jnp.int32(n_pad - n)])
    nchunks = e_pad // CHUNK

    def grouped(a, k):
        return a.reshape(nchunks // k, 1, k * CHUNK)

    k1, k2, k3, kc = 1, 4, KMAX, KMAX
    row_k1, col_k1 = grouped(row, k1), grouped(col, k1)
    row_k2, col_k2 = grouped(row, k2), grouped(col, k2)
    row_k3, col_k3 = grouped(row, k3), grouped(col, k3)
    col_kc = grouped(col, kc)

    w3_p = jnp.pad(W3, ((0, 0), (0, d3p - d3o)))

    cnt = _make_sc_agg(n_pad, nchunks // kc, kc, LANES, True)(col_kc, col_kc)

    blk = 2000
    f32 = jnp.float32

    def rspec(width):
        return pl.BlockSpec((blk, width), lambda i: (i, 0))

    def aspec(w=WIDE):
        return pl.BlockSpec((NC, blk, w), lambda i: (0, i, 0))

    def vspec():
        return pl.BlockSpec((blk, 1), lambda i: (i, 0))

    def cspec(*shape):
        nz = (0,) * len(shape)
        return pl.BlockSpec(shape, lambda i, _nz=nz: _nz)

    grid = (n // blk,)
    tc_params = pltpu.CompilerParams(
        dimension_semantics=("parallel",))

    p1, dis = pl.pallas_call(
        _mm1_body,
        grid=grid,
        in_specs=[rspec(d_in), cspec(d_in, d1o), aspec()],
        out_specs=[rspec(d1o), vspec()],
        out_shape=[jax.ShapeDtypeStruct((n, d1o), f32),
                   jax.ShapeDtypeStruct((n, 1), f32)],
        compiler_params=tc_params,
    )(x, W1, cnt)

    agg1 = _make_sc_agg(n_pad, nchunks // k1, k1, d1o, False)(
        p1, row_k1, col_k1)

    p2 = pl.pallas_call(
        _make_fuse_body(d1o),
        grid=grid,
        in_specs=[aspec(), rspec(d1o), vspec(),
                  cspec(d1o), cspec(d1o), cspec(d1o), cspec(d1o, d2o)],
        out_specs=rspec(d2o),
        out_shape=jax.ShapeDtypeStruct((n, d2o), f32),
        compiler_params=tc_params,
    )(agg1, p1, dis, b1, g1, be1, W2)

    agg2 = _make_sc_agg(n_pad, nchunks // k2, k2, d2o, False)(
        p2, row_k2, col_k2)

    p3 = pl.pallas_call(
        _make_fuse_body(d2o),
        grid=grid,
        in_specs=[aspec(), rspec(d2o), vspec(),
                  cspec(d2o), cspec(d2o), cspec(d2o), cspec(d2o, d3p)],
        out_specs=rspec(d3p),
        out_shape=jax.ShapeDtypeStruct((n, d3p), f32),
        compiler_params=tc_params,
    )(agg2, p2, dis, b2, g2, be2, w3_p)

    agg3 = _make_sc_agg(n_pad, nchunks // k3, k3, d3p, False)(
        p3, row_k3, col_k3)

    y = pl.pallas_call(
        _fin_body,
        grid=grid,
        in_specs=[aspec(), rspec(d3p), vspec(), cspec(d3p)],
        out_specs=pl.BlockSpec((blk, d3o), lambda i: (i, 0)),
        out_shape=jax.ShapeDtypeStruct((n, d3o), f32),
        compiler_params=tc_params,
    )(agg3, p3, dis, jnp.pad(b3, (0, d3p - d3o)))

    return y

# --- scband reference (transcript-rebuilt; emitter-appended) ---
"""Pipeline reference for scband-robust-gcn-7413113553287 (READ-ONLY COPY).

The authoritative reference and input builder live on the scoring server;
editing this copy changes nothing except your own understanding.
"""

import jax, jax.numpy as jnp
import numpy as np


def layer_norm(x, gamma, beta, eps=1e-5):
    mu = jnp.mean(x, axis=-1, keepdims=True)
    var = jnp.var(x, axis=-1, keepdims=True)
    return (x - mu) / jnp.sqrt(var + eps) * gamma + beta


def gcn_conv(x, edge_index, W, b):
    # PyG GCNConv: add self-loops, symmetric normalization D^-1/2 A D^-1/2, then linear + bias
    N = x.shape[0]
    loops = jnp.arange(N, dtype=edge_index.dtype)
    row = jnp.concatenate([edge_index[0], loops])
    col = jnp.concatenate([edge_index[1], loops])
    deg = jnp.zeros((N,), dtype=x.dtype).at[col].add(1.0)
    deg_inv_sqrt = jnp.where(deg > 0, 1.0 / jnp.sqrt(deg), 0.0)
    norm = deg_inv_sqrt[row] * deg_inv_sqrt[col]
    h = x @ W
    msg = h[row] * norm[:, None]
    out = jnp.zeros((N, W.shape[1]), dtype=x.dtype).at[col].add(msg)
    return out + b


def setup_inputs(seed: int = 0) -> dict:
    key = jax.random.key(seed)
    ks = jax.random.split(key, 16)
    N, d_feat = 10000, 256
    E = 160000
    x = jax.random.normal(ks[0], (N, d_feat), dtype=jnp.float32)
    edge_index = jax.random.randint(ks[1], (2, E), 0, N, dtype=jnp.int64)

    def glorot(k, fan_in, fan_out):
        s = jnp.sqrt(6.0 / (fan_in + fan_out))
        return jax.random.uniform(k, (fan_in, fan_out), minval=-s, maxval=s, dtype=jnp.float32)

    W1 = glorot(ks[2], d_feat, 128)
    b1 = jnp.zeros((128,), dtype=jnp.float32)
    g1 = jnp.ones((128,), dtype=jnp.float32)
    be1 = jnp.zeros((128,), dtype=jnp.float32)
    W2 = glorot(ks[3], 128, 64)
    b2 = jnp.zeros((64,), dtype=jnp.float32)
    g2 = jnp.ones((64,), dtype=jnp.float32)
    be2 = jnp.zeros((64,), dtype=jnp.float32)
    W3 = glorot(ks[4], 64, 2)
    b3 = jnp.zeros((2,), dtype=jnp.float32)
    return {"x": x, "edge_index": edge_index, "W1": W1, "b1": b1, "g1": g1, "be1": be1,
            "W2": W2, "b2": b2, "g2": g2, "be2": be2, "W3": W3, "b3": b3}


def reference(x, edge_index, W1, b1, g1, be1, W2, b2, g2, be2, W3, b3):
    h = gcn_conv(x, edge_index, W1, b1)
    h = layer_norm(h, g1, be1)
    h = jax.nn.elu(h)
    # dropout is identity in eval mode
    h = gcn_conv(h, edge_index, W2, b2)
    h = layer_norm(h, g2, be2)
    h = jax.nn.elu(h)
    h = gcn_conv(h, edge_index, W3, b3)
    return jax.nn.log_softmax(h, axis=1)

if __name__ == "__main__":
    import jax
    _d = setup_inputs()
    print(jax.jit(kernel)(*tuple(_d.values())))

</pallas_src>

<mosaic_0001>
#map = affine_map<(d0, d1) -> (0, 0, 0)>
module attributes {stable_mosaic.version = 14 : i64} {
  func.func @body(%arg0: i32, %arg1: i32, %arg2: memref<160x1x1024xi32, #tpu.memory_space<hbm>>, %arg3: memref<160x1x1024xi32, #tpu.memory_space<hbm>>, %arg4: memref<2x10240x128xf32, #tpu.memory_space<hbm>>, %arg5: memref<10240x16xf32, #tpu.memory_space<vmem_shared>>, %arg6: memref<1024x16xf32, #tpu.memory_space<vmem>>, %arg7: memref<1024x16xf32, #tpu.memory_space<vmem>>, %arg8: memref<5x1x1024xi32, #tpu.memory_space<vmem>>, %arg9: memref<5x1x1024xi32, #tpu.memory_space<vmem>>, %arg10: memref<!tpu.dma_semaphore, #tpu.memory_space<semaphore_mem>>, %arg11: memref<!tpu.dma_semaphore, #tpu.memory_space<semaphore_mem>>) attributes {dimension_semantics = [#tpu.dimension_semantics<core_parallel>, #tpu.dimension_semantics<subcore_parallel>], iteration_bounds = array<i64: 2, 16>, scalar_prefetch = 0 : i64, scratch_operands = 7 : i64, tpu.core_type = #tpu.core_type<sc_vector_subcore>, window_params = [{transform_indices = #map}, {transform_indices = #map}, {transform_indices = #map}]} {
    %mul3A = arith.constant 16 : i32
    %mul3A_0 = arith.muli %arg0, %mul3A : i32
    %add3A = arith.addi %mul3A_0, %arg1 : i32
    %scan3A = arith.constant 0 : i32
    %scan3A_1 = arith.constant 0 : i32
    %scan3A_2 = arith.constant 1024 : i32
    %scan3A_3 = arith.addi %scan3A_1, %scan3A_2 : i32
    %scan3A_4 = arith.constant 1 : i32
    %scan3A_5 = scf.for %scan3A_33 = %scan3A_1 to %scan3A_3 step %scan3A_4 iter_args(%scan3A_34 = %scan3A) -> (i32)  : i32 {
      %scan3A_35 = arith.constant 0 : i32
      %scan3A_36 = arith.constant 0 : i32
      %broadcast_in_dim3A = arith.constant 0.000000e+00 : f32
      %broadcast_in_dim3A_37 = vector.broadcast %broadcast_in_dim3A : f32 to vector<16xf32>
      %mul3A_38 = arith.constant 16 : i32
      %mul3A_39 = arith.muli %scan3A_36, %mul3A_38 : i32
      %swap3A = arith.index_cast %scan3A_33 : i32 to index
      %swap3A_40 = arith.index_cast %mul3A_39 : i32 to index
      %swap3A_41 = tpu.vector_load %arg7[%swap3A, %swap3A_40] {strides = array<i32>} : memref<1024x16xf32, #tpu.memory_space<vmem>>, vector<1x16xf32>,
      %swap3A_42 = vector.shape_cast %swap3A_41 : vector<1x16xf32> to vector<16xf32>
      %swap3A_43 = vector.shape_cast %broadcast_in_dim3A_37 : vector<16xf32> to vector<1x16xf32>
      tpu.vector_store %arg7[%swap3A, %swap3A_40], %swap3A_43 {strides = array<i32>} : memref<1024x16xf32, #tpu.memory_space<vmem>>, vector<1x16xf32>,
      %broadcast_in_dim3A_44 = arith.constant 1.000000e+00 : f32
      %broadcast_in_dim3A_45 = vector.broadcast %broadcast_in_dim3A_44 : f32 to vector<16xf32>
      %mul3A_46 = arith.constant 16 : i32
      %mul3A_47 = arith.muli %scan3A_36, %mul3A_46 : i32
      %swap3A_48 = arith.index_cast %scan3A_33 : i32 to index
      %swap3A_49 = arith.index_cast %mul3A_47 : i32 to index
      %swap3A_50 = tpu.vector_load %arg6[%swap3A_48, %swap3A_49] {strides = array<i32>} : memref<1024x16xf32, #tpu.memory_space<vmem>>, vector<1x16xf32>,
      %swap3A_51 = vector.shape_cast %swap3A_50 : vector<1x16xf32> to vector<16xf32>
      %swap3A_52 = vector.shape_cast %broadcast_in_dim3A_45 : vector<16xf32> to vector<1x16xf32>
      tpu.vector_store %arg6[%swap3A_48, %swap3A_49], %swap3A_52 {strides = array<i32>} : memref<1024x16xf32, #tpu.memory_space<vmem>>, vector<1x16xf32>,
      %scan3A_53 = arith.constant 0 : i32
      %scan3A_54 = arith.constant 1 : i32
      scf.yield %scan3A_53 : i32
    }
    %scan3A_6 = arith.constant 1024 : i32
    %scan3A_7 = arith.constant 0 : i32
    %scan3A_8 = arith.constant 0 : i32
    %scan3A_9 = arith.constant 5 : i32
    %scan3A_10 = arith.addi %scan3A_8, %scan3A_9 : i32
    %scan3A_11 = arith.constant 1 : i32
    %scan3A_12 = scf.for %scan3A_33 = %scan3A_8 to %scan3A_10 step %scan3A_11 iter_args(%scan3A_34 = %scan3A_7) -> (i32)  : i32 {
      %mul3A_35 = arith.constant 640 : i32
      %mul3A_36 = arith.muli %arg1, %mul3A_35 : i32
      %mul3A_37 = arith.constant 128 : i32
      %mul3A_38 = arith.muli %scan3A_33, %mul3A_37 : i32
      %add3A_39 = arith.addi %mul3A_36, %mul3A_38 : i32
      "tpu.region"() ({
        %run_scoped3A = tpu.sem_alloc : memref<!tpu.dma_semaphore, #tpu.memory_space<semaphore_mem>>
        %dma_start3A = arith.constant 0 : i32
        %dma_start3A_41 = arith.constant 0 : i32
        %dma_start3A_42 = tpu.memref_slice %arg7[%dma_start3A, %dma_start3A_41] : memref<1024x16xf32, #tpu.memory_space<vmem>> -> memref<128x16xf32, #tpu.memory_space<vmem>>
        %dma_start3A_43 = arith.constant 0 : i32
        %dma_start3A_44 = tpu.memref_slice %arg5[%add3A_39, %dma_start3A_43] : memref<10240x16xf32, #tpu.memory_space<vmem_shared>> -> memref<128x16xf32, #tpu.memory_space<vmem_shared>>
        %dma_start3A_45 = arith.constant 0 : i32
        %dma_start3A_46 = tpu.memref_slice %arg5[%add3A_39, %dma_start3A_45] : memref<10240x16xf32, #tpu.memory_space<vmem_shared>> -> memref<128x16xf32, #tpu.memory_space<vmem_shared>>
        %dma_start3A_47 = arith.constant 0 : i32
        %dma_start3A_48 = arith.constant 0 : i32
        %dma_start3A_49 = tpu.memref_slice %arg7[%dma_start3A_47, %dma_start3A_48] : memref<1024x16xf32, #tpu.memory_space<vmem>> -> memref<128x16xf32, #tpu.memory_space<vmem>>
        tpu.enqueue_dma source(%dma_start3A_49 : memref<128x16xf32, #tpu.memory_space<vmem>>) target(%dma_start3A_46 : memref<128x16xf32, #tpu.memory_space<vmem_shared>>) target_semaphore(%run_scoped3A : memref<!tpu.dma_semaphore, #tpu.memory_space<semaphore_mem>>)
        %dma_wait3A = arith.constant 0 : i32
        %dma_wait3A_50 = arith.constant 0 : i32
        %dma_wait3A_51 = tpu.memref_slice %arg7[%dma_wait3A, %dma_wait3A_50] : memref<1024x16xf32, #tpu.memory_space<vmem>> -> memref<128x16xf32, #tpu.memory_space<vmem>>
        %dma_wait3A_52 = arith.constant 0 : i32
        %dma_wait3A_53 = tpu.memref_slice %arg5[%add3A_39, %dma_wait3A_52] : memref<10240x16xf32, #tpu.memory_space<vmem_shared>> -> memref<128x16xf32, #tpu.memory_space<vmem_shared>>
        %dma_wait3A_54 = arith.constant 0 : i32
        %dma_wait3A_55 = tpu.memref_slice %arg5[%add3A_39, %dma_wait3A_54] : memref<10240x16xf32, #tpu.memory_space<vmem_shared>> -> memref<128x16xf32, #tpu.memory_space<vmem_shared>>
        %dma_wait3A_56 = arith.constant 0 : i32
        %dma_wait3A_57 = arith.constant 0 : i32
        %dma_wait3A_58 = tpu.memref_slice %arg7[%dma_wait3A_56, %dma_wait3A_57] : memref<1024x16xf32, #tpu.memory_space<vmem>> -> memref<128x16xf32, #tpu.memory_space<vmem>>
        tpu.wait_dma2 semaphore(%run_scoped3A : memref<!tpu.dma_semaphore, #tpu.memory_space<semaphore_mem>>) src(%dma_wait3A_58 : memref<128x16xf32, #tpu.memory_space<vmem>>) dst(%dma_wait3A_55 : memref<128x16xf32, #tpu.memory_space<vmem_shared>>)
        tpu.yield
      }) : () -> ()
      %scan3A_40 = arith.constant 0 : i32
      scf.yield %scan3A_40 : i32
    }
    %scan3A_13 = arith.constant 5 : i32
    %mul3A_14 = arith.constant 5 : i32
    %mul3A_15 = arith.muli %add3A, %mul3A_14 : i32
    "tpu.region"() ({
      %run_scoped3A = tpu.sem_alloc : memref<!tpu.dma_semaphore, #tpu.memory_space<semaphore_mem>>
      %dma_start3A = arith.constant 0 : i32
      %dma_start3A_33 = arith.constant 0 : i32
      %dma_start3A_34 = tpu.memref_slice %arg3[%mul3A_15, %dma_start3A, %dma_start3A_33] : memref<160x1x1024xi32, #tpu.memory_space<hbm>> -> memref<5x1x1024xi32, #tpu.memory_space<hbm>>
      %dma_start3A_35 = arith.constant 0 : i32
      %dma_start3A_36 = arith.constant 0 : i32
      %dma_start3A_37 = tpu.memref_slice %arg3[%mul3A_15, %dma_start3A_35, %dma_start3A_36] : memref<160x1x1024xi32, #tpu.memory_space<hbm>> -> memref<5x1x1024xi32, #tpu.memory_space<hbm>>
      tpu.enqueue_dma source(%dma_start3A_37 : memref<5x1x1024xi32, #tpu.memory_space<hbm>>) target(%arg9 : memref<5x1x1024xi32, #tpu.memory_space<vmem>>) target_semaphore(%run_scoped3A : memref<!tpu.dma_semaphore, #tpu.memory_space<semaphore_mem>>)
      %dma_wait3A = arith.constant 0 : i32
      %dma_wait3A_38 = arith.constant 0 : i32
      %dma_wait3A_39 = tpu.memref_slice %arg3[%mul3A_15, %dma_wait3A, %dma_wait3A_38] : memref<160x1x1024xi32, #tpu.memory_space<hbm>> -> memref<5x1x1024xi32, #tpu.memory_space<hbm>>
      %dma_wait3A_40 = arith.constant 0 : i32
      %dma_wait3A_41 = arith.constant 0 : i32
      %dma_wait3A_42 = tpu.memref_slice %arg3[%mul3A_15, %dma_wait3A_40, %dma_wait3A_41] : memref<160x1x1024xi32, #tpu.memory_space<hbm>> -> memref<5x1x1024xi32, #tpu.memory_space<hbm>>
      tpu.wait_dma2 semaphore(%run_scoped3A : memref<!tpu.dma_semaphore, #tpu.memory_space<semaphore_mem>>) src(%dma_wait3A_42 : memref<5x1x1024xi32, #tpu.memory_space<hbm>>) dst(%arg9 : memref<5x1x1024xi32, #tpu.memory_space<vmem>>)
      tpu.yield
    }) : () -> ()
    %barrier3A = arith.constant 0 : index
    tpu.barrier barrier_id(%barrier3A)
    %scan3A_16 = arith.constant 0 : i32
    %scan3A_17 = arith.constant 0 : i32
    %scan3A_18 = arith.constant 5 : i32
    %scan3A_19 = arith.addi %scan3A_17, %scan3A_18 : i32
    %scan3A_20 = arith.constant 1 : i32
    %scan3A_21 = scf.for %scan3A_33 = %scan3A_17 to %scan3A_19 step %scan3A_20 iter_args(%scan3A_34 = %scan3A_16) -> (i32)  : i32 {
      %dma_start3A = arith.constant 0 : i32
      %dma_start3A_35 = arith.constant 0 : i32
      %dma_start3A_36 = tpu.memref_slice %arg9[%scan3A_33, %dma_start3A, %dma_start3A_35] : memref<5x1x1024xi32, #tpu.memory_space<vmem>> -> memref<1x1x1024xi32, #tpu.memory_space<vmem>>
      %dma_start3A_37 = tpu.memref_squeeze %dma_start3A_36 : memref<1x1x1024xi32, #tpu.memory_space<vmem>> -> memref<1024xi32, #tpu.memory_space<vmem>>
      %dma_start3A_38 = arith.constant 0 : i32
      %dma_start3A_39 = arith.constant 0 : i32
      %dma_start3A_40 = tpu.memref_slice %arg5[%dma_start3A_38, %dma_start3A_39] : memref<10240x16xf32, #tpu.memory_space<vmem_shared>> -> memref<10240x16xf32, #tpu.memory_space<vmem_shared>>
      tpu.enqueue_indirect_dma source(%arg6 : memref<1024x16xf32, #tpu.memory_space<vmem>>) target(%dma_start3A_40 : memref<10240x16xf32, #tpu.memory_space<vmem_shared>>) offsets(%dma_start3A_37 : memref<1024xi32, #tpu.memory_space<vmem>>) semaphore(%arg10 : memref<!tpu.dma_semaphore, #tpu.memory_space<semaphore_mem>>) {add = true}
      %scan3A_41 = arith.constant 0 : i32
      scf.yield %scan3A_41 : i32
    }
    %scan3A_22 = arith.constant 5 : i32
    %scan3A_23 = arith.constant 0 : i32
    %scan3A_24 = arith.constant 0 : i32
    %scan3A_25 = arith.constant 5 : i32
    %scan3A_26 = arith.addi %scan3A_24, %scan3A_25 : i32
    %scan3A_27 = arith.constant 1 : i32
    %scan3A_28 = scf.for %scan3A_33 = %scan3A_24 to %scan3A_26 step %scan3A_27 iter_args(%scan3A_34 = %scan3A_23) -> (i32)  : i32 {
      %dma_wait3A = arith.constant 0 : i32
      %dma_wait3A_35 = arith.constant 0 : i32
      %dma_wait3A_36 = tpu.memref_slice %arg9[%scan3A_33, %dma_wait3A, %dma_wait3A_35] : memref<5x1x1024xi32, #tpu.memory_space<vmem>> -> memref<1x1x1024xi32, #tpu.memory_space<vmem>>
      %dma_wait3A_37 = tpu.memref_squeeze %dma_wait3A_36 : memref<1x1x1024xi32, #tpu.memory_space<vmem>> -> memref<1024xi32, #tpu.memory_space<vmem>>
      %dma_wait3A_38 = arith.constant 0 : i32
      %dma_wait3A_39 = arith.constant 0 : i32
      %dma_wait3A_40 = tpu.memref_slice %arg5[%dma_wait3A_38, %dma_wait3A_39] : memref<10240x16xf32, #tpu.memory_space<vmem_shared>> -> memref<10240x16xf32, #tpu.memory_space<vmem_shared>>
      tpu.wait_indirect_dma semaphore(%arg10 : memref<!tpu.dma_semaphore, #tpu.memory_space<semaphore_mem>>) src(%arg6 : memref<1024x16xf32, #tpu.memory_space<vmem>>) dst(%dma_wait3A_40 : memref<10240x16xf32, #tpu.memory_space<vmem_shared>>)
      %scan3A_41 = arith.constant 0 : i32
      scf.yield %scan3A_41 : i32
    }
    %scan3A_29 = arith.constant 5 : i32
    %barrier3A_30 = arith.constant 0 : index
    tpu.barrier barrier_id(%barrier3A_30)
    %mul3A_31 = arith.constant 640 : i32
    %mul3A_32 = arith.muli %arg1, %mul3A_31 : i32
    "tpu.region"() ({
      %run_scoped3A = tpu.sem_alloc : memref<!tpu.dma_semaphore, #tpu.memory_space<semaphore_mem>>
      %dma_start3A = arith.constant 0 : i32
      %dma_start3A_33 = tpu.memref_slice %arg4[%arg0, %mul3A_32, %dma_start3A] : memref<2x10240x128xf32, #tpu.memory_space<hbm>> -> memref<1x640x16xf32, #tpu.memory_space<hbm>>
      %dma_start3A_34 = tpu.memref_squeeze %dma_start3A_33 : memref<1x640x16xf32, #tpu.memory_space<hbm>> -> memref<640x16xf32, #tpu.memory_space<hbm>>
      %dma_start3A_35 = arith.constant 0 : i32
      %dma_start3A_36 = tpu.memref_slice %arg5[%mul3A_32, %dma_start3A_35] : memref<10240x16xf32, #tpu.memory_space<vmem_shared>> -> memref<640x16xf32, #tpu.memory_space<vmem_shared>>
      tpu.enqueue_dma source(%dma_start3A_36 : memref<640x16xf32, #tpu.memory_space<vmem_shared>>) target(%dma_start3A_34 : memref<640x16xf32, #tpu.memory_space<hbm>>) target_semaphore(%run_scoped3A : memref<!tpu.dma_semaphore, #tpu.memory_space<semaphore_mem>>)
      %dma_wait3A = arith.constant 0 : i32
      %dma_wait3A_37 = tpu.memref_slice %arg4[%arg0, %mul3A_32, %dma_wait3A] : memref<2x10240x128xf32, #tpu.memory_space<hbm>> -> memref<1x640x16xf32, #tpu.memory_space<hbm>>
      %dma_wait3A_38 = tpu.memref_squeeze %dma_wait3A_37 : memref<1x640x16xf32, #tpu.memory_space<hbm>> -> memref<640x16xf32, #tpu.memory_space<hbm>>
      %dma_wait3A_39 = arith.constant 0 : i32
      %dma_wait3A_40 = tpu.memref_slice %arg5[%mul3A_32, %dma_wait3A_39] : memref<10240x16xf32, #tpu.memory_space<vmem_shared>> -> memref<640x16xf32, #tpu.memory_space<vmem_shared>>
      tpu.wait_dma2 semaphore(%run_scoped3A : memref<!tpu.dma_semaphore, #tpu.memory_space<semaphore_mem>>) src(%dma_wait3A_40 : memref<640x16xf32, #tpu.memory_space<vmem_shared>>) dst(%dma_wait3A_38 : memref<640x16xf32, #tpu.memory_space<hbm>>)
      tpu.yield
    }) : () -> ()
    return
  }
}

#map = affine_map<(d0, d1) -> (0, 0)>
#map1 = affine_map<(d0, d1) -> (0, 0, 0)>
module attributes {stable_mosaic.version = 14 : i64} {
  func.func @body(%arg0: i32, %arg1: i32, %arg2: memref<10000x16xf32, #tpu.memory_space<hbm>>, %arg3: memref<160x1x1024xi32, #tpu.memory_space<hbm>>, %arg4: memref<160x1x1024xi32, #tpu.memory_space<hbm>>, %arg5: memref<2x10240x128xf32, #tpu.memory_space<hbm>>, %arg6: memref<10240x16xf32, #tpu.memory_space<vmem_shared>>, %arg7: memref<1024x16xf32, #tpu.memory_space<vmem>>, %arg8: memref<1024x16xf32, #tpu.memory_space<vmem>>, %arg9: memref<5x1x1024xi32, #tpu.memory_space<vmem>>, %arg10: memref<5x1x1024xi32, #tpu.memory_space<vmem>>, %arg11: memref<!tpu.dma_semaphore, #tpu.memory_space<semaphore_mem>>, %arg12: memref<!tpu.dma_semaphore, #tpu.memory_space<semaphore_mem>>) attributes {dimension_semantics = [#tpu.dimension_semantics<core_parallel>, #tpu.dimension_semantics<subcore_parallel>], iteration_bounds = array<i64: 2, 16>, scalar_prefetch = 0 : i64, scratch_operands = 7 : i64, tpu.core_type = #tpu.core_type<sc_vector_subcore>, window_params = [{transform_indices = #map}, {transform_indices = #map1}, {transform_indices = #map1}, {transform_indices = #map1}]} {
    %mul3A = arith.constant 16 : i32
    %mul3A_0 = arith.muli %arg0, %mul3A : i32
    %add3A = arith.addi %mul3A_0, %arg1 : i32
    %scan3A = arith.constant 0 : i32
    %scan3A_1 = arith.constant 0 : i32
    %scan3A_2 = arith.constant 1024 : i32
    %scan3A_3 = arith.addi %scan3A_1, %scan3A_2 : i32
    %scan3A_4 = arith.constant 1 : i32
    %scan3A_5 = scf.for %scan3A_35 = %scan3A_1 to %scan3A_3 step %scan3A_4 iter_args(%scan3A_36 = %scan3A) -> (i32)  : i32 {
      %scan3A_37 = arith.constant 0 : i32
      %scan3A_38 = arith.constant 0 : i32
      %broadcast_in_dim3A = arith.constant 0.000000e+00 : f32
      %broadcast_in_dim3A_39 = vector.broadcast %broadcast_in_dim3A : f32 to vector<16xf32>
      %mul3A_40 = arith.constant 16 : i32
      %mul3A_41 = arith.muli %scan3A_38, %mul3A_40 : i32
      %swap3A = arith.index_cast %scan3A_35 : i32 to index
      %swap3A_42 = arith.index_cast %mul3A_41 : i32 to index
      %swap3A_43 = tpu.vector_load %arg8[%swap3A, %swap3A_42] {strides = array<i32>} : memref<1024x16xf32, #tpu.memory_space<vmem>>, vector<1x16xf32>,
      %swap3A_44 = vector.shape_cast %swap3A_43 : vector<1x16xf32> to vector<16xf32>
      %swap3A_45 = vector.shape_cast %broadcast_in_dim3A_39 : vector<16xf32> to vector<1x16xf32>
      tpu.vector_store %arg8[%swap3A, %swap3A_42], %swap3A_45 {strides = array<i32>} : memref<1024x16xf32, #tpu.memory_space<vmem>>, vector<1x16xf32>,
      %scan3A_46 = arith.constant 0 : i32
      %scan3A_47 = arith.constant 1 : i32
      scf.yield %scan3A_46 : i32
    }
    %scan3A_6 = arith.constant 1024 : i32
    %scan3A_7 = arith.constant 0 : i32
    %scan3A_8 = arith.constant 0 : i32
    %scan3A_9 = arith.constant 5 : i32
    %scan3A_10 = arith.addi %scan3A_8, %scan3A_9 : i32
    %scan3A_11 = arith.constant 1 : i32
    %scan3A_12 = scf.for %scan3A_35 = %scan3A_8 to %scan3A_10 step %scan3A_11 iter_args(%scan3A_36 = %scan3A_7) -> (i32)  : i32 {
      %mul3A_37 = arith.constant 640 : i32
      %mul3A_38 = arith.muli %arg1, %mul3A_37 : i32
      %mul3A_39 = arith.constant 128 : i32
      %mul3A_40 = arith.muli %scan3A_35, %mul3A_39 : i32
      %add3A_41 = arith.addi %mul3A_38, %mul3A_40 : i32
      "tpu.region"() ({
        %run_scoped3A = tpu.sem_alloc : memref<!tpu.dma_semaphore, #tpu.memory_space<semaphore_mem>>
        %dma_start3A_43 = arith.constant 0 : i32
        %dma_start3A_44 = arith.constant 0 : i32
        %dma_start3A_45 = tpu.memref_slice %arg8[%dma_start3A_43, %dma_start3A_44] : memref<1024x16xf32, #tpu.memory_space<vmem>> -> memref<128x16xf32, #tpu.memory_space<vmem>>
        %dma_start3A_46 = arith.constant 0 : i32
        %dma_start3A_47 = tpu.memref_slice %arg6[%add3A_41, %dma_start3A_46] : memref<10240x16xf32, #tpu.memory_space<vmem_shared>> -> memref<128x16xf32, #tpu.memory_space<vmem_shared>>
        %dma_start3A_48 = arith.constant 0 : i32
        %dma_start3A_49 = tpu.memref_slice %arg6[%add3A_41, %dma_start3A_48] : memref<10240x16xf32, #tpu.memory_space<vmem_shared>> -> memref<128x16xf32, #tpu.memory_space<vmem_shared>>
        %dma_start3A_50 = arith.constant 0 : i32
        %dma_start3A_51 = arith.constant 0 : i32
        %dma_start3A_52 = tpu.memref_slice %arg8[%dma_start3A_50, %dma_start3A_51] : memref<1024x16xf32, #tpu.memory_space<vmem>> -> memref<128x16xf32, #tpu.memory_space<vmem>>
        tpu.enqueue_dma source(%dma_start3A_52 : memref<128x16xf32, #tpu.memory_space<vmem>>) target(%dma_start3A_49 : memref<128x16xf32, #tpu.memory_space<vmem_shared>>) target_semaphore(%run_scoped3A : memref<!tpu.dma_semaphore, #tpu.memory_space<semaphore_mem>>)
        %dma_wait3A = arith.constant 0 : i32
        %dma_wait3A_53 = arith.constant 0 : i32
        %dma_wait3A_54 = tpu.memref_slice %arg8[%dma_wait3A, %dma_wait3A_53] : memref<1024x16xf32, #tpu.memory_space<vmem>> -> memref<128x16xf32, #tpu.memory_space<vmem>>
        %dma_wait3A_55 = arith.constant 0 : i32
        %dma_wait3A_56 = tpu.memref_slice %arg6[%add3A_41, %dma_wait3A_55] : memref<10240x16xf32, #tpu.memory_space<vmem_shared>> -> memref<128x16xf32, #tpu.memory_space<vmem_shared>>
        %dma_wait3A_57 = arith.constant 0 : i32
        %dma_wait3A_58 = tpu.memref_slice %arg6[%add3A_41, %dma_wait3A_57] : memref<10240x16xf32, #tpu.memory_space<vmem_shared>> -> memref<128x16xf32, #tpu.memory_space<vmem_shared>>
        %dma_wait3A_59 = arith.constant 0 : i32
        %dma_wait3A_60 = arith.constant 0 : i32
        %dma_wait3A_61 = tpu.memref_slice %arg8[%dma_wait3A_59, %dma_wait3A_60] : memref<1024x16xf32, #tpu.memory_space<vmem>> -> memref<128x16xf32, #tpu.memory_space<vmem>>
        tpu.wait_dma2 semaphore(%run_scoped3A : memref<!tpu.dma_semaphore, #tpu.memory_space<semaphore_mem>>) src(%dma_wait3A_61 : memref<128x16xf32, #tpu.memory_space<vmem>>) dst(%dma_wait3A_58 : memref<128x16xf32, #tpu.memory_space<vmem_shared>>)
        tpu.yield
      }) : () -> ()
      %scan3A_42 = arith.constant 0 : i32
      scf.yield %scan3A_42 : i32
    }
    %scan3A_13 = arith.constant 5 : i32
    %mul3A_14 = arith.constant 5 : i32
    %mul3A_15 = arith.muli %add3A, %mul3A_14 : i32
    "tpu.region"() ({
      %run_scoped3A = tpu.sem_alloc : memref<!tpu.dma_semaphore, #tpu.memory_space<semaphore_mem>>
      %dma_start3A_35 = arith.constant 0 : i32
      %dma_start3A_36 = arith.constant 0 : i32
      %dma_start3A_37 = tpu.memref_slice %arg3[%mul3A_15, %dma_start3A_35, %dma_start3A_36] : memref<160x1x1024xi32, #tpu.memory_space<hbm>> -> memref<5x1x1024xi32, #tpu.memory_space<hbm>>
      %dma_start3A_38 = arith.constant 0 : i32
      %dma_start3A_39 = arith.constant 0 : i32
      %dma_start3A_40 = tpu.memref_slice %arg3[%mul3A_15, %dma_start3A_38, %dma_start3A_39] : memref<160x1x1024xi32, #tpu.memory_space<hbm>> -> memref<5x1x1024xi32, #tpu.memory_space<hbm>>
      tpu.enqueue_dma source(%dma_start3A_40 : memref<5x1x1024xi32, #tpu.memory_space<hbm>>) target(%arg9 : memref<5x1x1024xi32, #tpu.memory_space<vmem>>) target_semaphore(%run_scoped3A : memref<!tpu.dma_semaphore, #tpu.memory_space<semaphore_mem>>)
      %dma_wait3A = arith.constant 0 : i32
      %dma_wait3A_41 = arith.constant 0 : i32
      %dma_wait3A_42 = tpu.memref_slice %arg3[%mul3A_15, %dma_wait3A, %dma_wait3A_41] : memref<160x1x1024xi32, #tpu.memory_space<hbm>> -> memref<5x1x1024xi32, #tpu.memory_space<hbm>>
      %dma_wait3A_43 = arith.constant 0 : i32
      %dma_wait3A_44 = arith.constant 0 : i32
      %dma_wait3A_45 = tpu.memref_slice %arg3[%mul3A_15, %dma_wait3A_43, %dma_wait3A_44] : memref<160x1x1024xi32, #tpu.memory_space<hbm>> -> memref<5x1x1024xi32, #tpu.memory_space<hbm>>
      tpu.wait_dma2 semaphore(%run_scoped3A : memref<!tpu.dma_semaphore, #tpu.memory_space<semaphore_mem>>) src(%dma_wait3A_45 : memref<5x1x1024xi32, #tpu.memory_space<hbm>>) dst(%arg9 : memref<5x1x1024xi32, #tpu.memory_space<vmem>>)
      tpu.yield
    }) : () -> ()
    %mul3A_16 = arith.constant 5 : i32
    %mul3A_17 = arith.muli %add3A, %mul3A_16 : i32
    "tpu.region"() ({
      %run_scoped3A = tpu.sem_alloc : memref<!tpu.dma_semaphore, #tpu.memory_space<semaphore_mem>>
      %dma_start3A_35 = arith.constant 0 : i32
      %dma_start3A_36 = arith.constant 0 : i32
      %dma_start3A_37 = tpu.memref_slice %arg4[%mul3A_17, %dma_start3A_35, %dma_start3A_36] : memref<160x1x1024xi32, #tpu.memory_space<hbm>> -> memref<5x1x1024xi32, #tpu.memory_space<hbm>>
      %dma_start3A_38 = arith.constant 0 : i32
      %dma_start3A_39 = arith.constant 0 : i32
      %dma_start3A_40 = tpu.memref_slice %arg4[%mul3A_17, %dma_start3A_38, %dma_start3A_39] : memref<160x1x1024xi32, #tpu.memory_space<hbm>> -> memref<5x1x1024xi32, #tpu.memory_space<hbm>>
      tpu.enqueue_dma source(%dma_start3A_40 : memref<5x1x1024xi32, #tpu.memory_space<hbm>>) target(%arg10 : memref<5x1x1024xi32, #tpu.memory_space<vmem>>) target_semaphore(%run_scoped3A : memref<!tpu.dma_semaphore, #tpu.memory_space<semaphore_mem>>)
      %dma_wait3A = arith.constant 0 : i32
      %dma_wait3A_41 = arith.constant 0 : i32
      %dma_wait3A_42 = tpu.memref_slice %arg4[%mul3A_17, %dma_wait3A, %dma_wait3A_41] : memref<160x1x1024xi32, #tpu.memory_space<hbm>> -> memref<5x1x1024xi32, #tpu.memory_space<hbm>>
      %dma_wait3A_43 = arith.constant 0 : i32
      %dma_wait3A_44 = arith.constant 0 : i32
      %dma_wait3A_45 = tpu.memref_slice %arg4[%mul3A_17, %dma_wait3A_43, %dma_wait3A_44] : memref<160x1x1024xi32, #tpu.memory_space<hbm>> -> memref<5x1x1024xi32, #tpu.memory_space<hbm>>
      tpu.wait_dma2 semaphore(%run_scoped3A : memref<!tpu.dma_semaphore, #tpu.memory_space<semaphore_mem>>) src(%dma_wait3A_45 : memref<5x1x1024xi32, #tpu.memory_space<hbm>>) dst(%arg10 : memref<5x1x1024xi32, #tpu.memory_space<vmem>>)
      tpu.yield
    }) : () -> ()
    %barrier3A = arith.constant 0 : index
    tpu.barrier barrier_id(%barrier3A)
    %dma_start3A = arith.constant 0 : i32
    %dma_start3A_18 = arith.constant 0 : i32
    %dma_start3A_19 = arith.constant 0 : i32
    %dma_start3A_20 = tpu.memref_slice %arg9[%dma_start3A, %dma_start3A_18, %dma_start3A_19] : memref<5x1x1024xi32, #tpu.memory_space<vmem>> -> memref<1x1x1024xi32, #tpu.memory_space<vmem>>
    %dma_start3A_21 = tpu.memref_squeeze %dma_start3A_20 : memref<1x1x1024xi32, #tpu.memory_space<vmem>> -> memref<1024xi32, #tpu.memory_space<vmem>>
    %dma_start3A_22 = arith.constant 0 : i32
    %dma_start3A_23 = arith.constant 0 : i32
    %dma_start3A_24 = tpu.memref_slice %arg2[%dma_start3A_22, %dma_start3A_23] : memref<10000x16xf32, #tpu.memory_space<hbm>> -> memref<10000x16xf32, #tpu.memory_space<hbm>>
    tpu.enqueue_indirect_dma source(%dma_start3A_24 : memref<10000x16xf32, #tpu.memory_space<hbm>>) target(%arg7 : memref<1024x16xf32, #tpu.memory_space<vmem>>) offsets(%dma_start3A_21 : memref<1024xi32, #tpu.memory_space<vmem>>) semaphore(%arg11 : memref<!tpu.dma_semaphore, #tpu.memory_space<semaphore_mem>>)
    %scan3A_25 = arith.constant 0 : i32
    %scan3A_26 = arith.constant 0 : i32
    %scan3A_27 = arith.constant 3 : i32
    %scan3A_28 = arith.addi %scan3A_26, %scan3A_27 : i32
    %scan3A_29 = arith.constant 1 : i32
    %scan3A_30 = scf.for %scan3A_35 = %scan3A_26 to %scan3A_28 step %scan3A_29 iter_args(%scan3A_36 = %scan3A_25) -> (i32)  : i32 {
      %mul3A_37 = arith.constant 2 : i32
      %mul3A_38 = arith.muli %mul3A_37, %scan3A_35 : i32
      %dma_wait3A = arith.constant 0 : i32
      %dma_wait3A_39 = arith.constant 0 : i32
      %dma_wait3A_40 = tpu.memref_slice %arg9[%mul3A_38, %dma_wait3A, %dma_wait3A_39] : memref<5x1x1024xi32, #tpu.memory_space<vmem>> -> memref<1x1x1024xi32, #tpu.memory_space<vmem>>
      %dma_wait3A_41 = tpu.memref_squeeze %dma_wait3A_40 : memref<1x1x1024xi32, #tpu.memory_space<vmem>> -> memref<1024xi32, #tpu.memory_space<vmem>>
      %dma_wait3A_42 = arith.constant 0 : i32
      %dma_wait3A_43 = arith.constant 0 : i32
      %dma_wait3A_44 = tpu.memref_slice %arg2[%dma_wait3A_42, %dma_wait3A_43] : memref<10000x16xf32, #tpu.memory_space<hbm>> -> memref<10000x16xf32, #tpu.memory_space<hbm>>
      tpu.wait_indirect_dma semaphore(%arg11 : memref<!tpu.dma_semaphore, #tpu.memory_space<semaphore_mem>>) src(%dma_wait3A_44 : memref<10000x16xf32, #tpu.memory_space<hbm>>) dst(%arg7 : memref<1024x16xf32, #tpu.memory_space<vmem>>)
      %add3A_45 = arith.constant 1 : i32
      %add3A_46 = arith.addi %mul3A_38, %add3A_45 : i32
      %lt3A = arith.constant 5 : i32
      %lt3A_47 = arith.cmpi slt, %add3A_46, %lt3A : i32
      %convert_element_type3A = arith.extui %lt3A_47 : i1 to i32
      %cond3A = arith.constant 0 : i32
      %cond3A_48 = arith.cmpi ne, %convert_element_type3A, %cond3A : i32
      scf.if %cond3A_48 {
        %add3A_57 = arith.constant 1 : i32
        %add3A_58 = arith.addi %mul3A_38, %add3A_57 : i32
        %dma_start3A_59 = arith.constant 0 : i32
        %dma_start3A_60 = arith.constant 0 : i32
        %dma_start3A_61 = tpu.memref_slice %arg9[%add3A_58, %dma_start3A_59, %dma_start3A_60] : memref<5x1x1024xi32, #tpu.memory_space<vmem>> -> memref<1x1x1024xi32, #tpu.memory_space<vmem>>
        %dma_start3A_62 = tpu.memref_squeeze %dma_start3A_61 : memref<1x1x1024xi32, #tpu.memory_space<vmem>> -> memref<1024xi32, #tpu.memory_space<vmem>>
        %dma_start3A_63 = arith.constant 0 : i32
        %dma_start3A_64 = arith.constant 0 : i32
        %dma_start3A_65 = tpu.memref_slice %arg2[%dma_start3A_63, %dma_start3A_64] : memref<10000x16xf32, #tpu.memory_space<hbm>> -> memref<10000x16xf32, #tpu.memory_space<hbm>>
        tpu.enqueue_indirect_dma source(%dma_start3A_65 : memref<10000x16xf32, #tpu.memory_space<hbm>>) target(%arg8 : memref<1024x16xf32, #tpu.memory_space<vmem>>) offsets(%dma_start3A_62 : memref<1024xi32, #tpu.memory_space<vmem>>) semaphore(%arg12 : memref<!tpu.dma_semaphore, #tpu.memory_space<semaphore_mem>>)
      } else {
      }
      %run_scoped3A = arith.constant 0 : i32
      "tpu.region"() ({
        %run_scoped3A_57 = tpu.sem_alloc : memref<!tpu.dma_semaphore, #tpu.memory_space<semaphore_mem>>
        %dma_start3A_58 = arith.constant 0 : i32
        %dma_start3A_59 = tpu.memref_slice %arg10[%mul3A_38, %run_scoped3A, %dma_start3A_58] : memref<5x1x1024xi32, #tpu.memory_space<vmem>> -> memref<1x1x1024xi32, #tpu.memory_space<vmem>>
        %dma_start3A_60 = tpu.memref_squeeze %dma_start3A_59 : memref<1x1x1024xi32, #tpu.memory_space<vmem>> -> memref<1024xi32, #tpu.memory_space<vmem>>
        %dma_start3A_61 = arith.constant 0 : i32
        %dma_start3A_62 = arith.constant 0 : i32
        %dma_start3A_63 = tpu.memref_slice %arg6[%dma_start3A_61, %dma_start3A_62] : memref<10240x16xf32, #tpu.memory_space<vmem_shared>> -> memref<10240x16xf32, #tpu.memory_space<vmem_shared>>
        tpu.enqueue_indirect_dma source(%arg7 : memref<1024x16xf32, #tpu.memory_space<vmem>>) target(%dma_start3A_63 : memref<10240x16xf32, #tpu.memory_space<vmem_shared>>) offsets(%dma_start3A_60 : memref<1024xi32, #tpu.memory_space<vmem>>) semaphore(%run_scoped3A_57 : memref<!tpu.dma_semaphore, #tpu.memory_space<semaphore_mem>>) {add = true}
        %dma_wait3A_64 = arith.constant 0 : i32
        %dma_wait3A_65 = tpu.memref_slice %arg10[%mul3A_38, %run_scoped3A, %dma_wait3A_64] : memref<5x1x1024xi32, #tpu.memory_space<vmem>> -> memref<1x1x1024xi32, #tpu.memory_space<vmem>>
        %dma_wait3A_66 = tpu.memref_squeeze %dma_wait3A_65 : memref<1x1x1024xi32, #tpu.memory_space<vmem>> -> memref<1024xi32, #tpu.memory_space<vmem>>
        %dma_wait3A_67 = arith.constant 0 : i32
        %dma_wait3A_68 = arith.constant 0 : i32
        %dma_wait3A_69 = tpu.memref_slice %arg6[%dma_wait3A_67, %dma_wait3A_68] : memref<10240x16xf32, #tpu.memory_space<vmem_shared>> -> memref<10240x16xf32, #tpu.memory_space<vmem_shared>>
        tpu.wait_indirect_dma semaphore(%run_scoped3A_57 : memref<!tpu.dma_semaphore, #tpu.memory_space<semaphore_mem>>) src(%arg7 : memref<1024x16xf32, #tpu.memory_space<vmem>>) dst(%dma_wait3A_69 : memref<10240x16xf32, #tpu.memory_space<vmem_shared>>)
        tpu.yield
      }) : () -> ()
      %add3A_49 = arith.constant 1 : i32
      %add3A_50 = arith.addi %mul3A_38, %add3A_49 : i32
      %lt3A_51 = arith.constant 5 : i32
      %lt3A_52 = arith.cmpi slt, %add3A_50, %lt3A_51 : i32
      %convert_element_type3A_53 = arith.extui %lt3A_52 : i1 to i32
      %cond3A_54 = arith.constant 0 : i32
      %cond3A_55 = arith.cmpi ne, %convert_element_type3A_53, %cond3A_54 : i32
      scf.if %cond3A_55 {
        %add3A_57 = arith.constant 1 : i32
        %add3A_58 = arith.addi %mul3A_38, %add3A_57 : i32
        %dma_wait3A_59 = arith.constant 0 : i32
        %dma_wait3A_60 = arith.constant 0 : i32
        %dma_wait3A_61 = tpu.memref_slice %arg9[%add3A_58, %dma_wait3A_59, %dma_wait3A_60] : memref<5x1x1024xi32, #tpu.memory_space<vmem>> -> memref<1x1x1024xi32, #tpu.memory_space<vmem>>
        %dma_wait3A_62 = tpu.memref_squeeze %dma_wait3A_61 : memref<1x1x1024xi32, #tpu.memory_space<vmem>> -> memref<1024xi32, #tpu.memory_space<vmem>>
        %dma_wait3A_63 = arith.constant 0 : i32
        %dma_wait3A_64 = arith.constant 0 : i32
        %dma_wait3A_65 = tpu.memref_slice %arg2[%dma_wait3A_63, %dma_wait3A_64] : memref<10000x16xf32, #tpu.memory_space<hbm>> -> memref<10000x16xf32, #tpu.memory_space<hbm>>
        tpu.wait_indirect_dma semaphore(%arg12 : memref<!tpu.dma_semaphore, #tpu.memory_space<semaphore_mem>>) src(%dma_wait3A_65 : memref<10000x16xf32, #tpu.memory_space<hbm>>) dst(%arg8 : memref<1024x16xf32, #tpu.memory_space<vmem>>)
        %add3A_66 = arith.constant 2 : i32
        %add3A_67 = arith.addi %mul3A_38, %add3A_66 : i32
        %lt3A_68 = arith.constant 5 : i32
        %lt3A_69 = arith.cmpi slt, %add3A_67, %lt3A_68 : i32
        %convert_element_type3A_70 = arith.extui %lt3A_69 : i1 to i32
        %cond3A_71 = arith.constant 0 : i32
        %cond3A_72 = arith.cmpi ne, %convert_element_type3A_70, %cond3A_71 : i32
        scf.if %cond3A_72 {
          %add3A_76 = arith.constant 2 : i32
          %add3A_77 = arith.addi %mul3A_38, %add3A_76 : i32
          %dma_start3A_78 = arith.constant 0 : i32
          %dma_start3A_79 = arith.constant 0 : i32
          %dma_start3A_80 = tpu.memref_slice %arg9[%add3A_77, %dma_start3A_78, %dma_start3A_79] : memref<5x1x1024xi32, #tpu.memory_space<vmem>> -> memref<1x1x1024xi32, #tpu.memory_space<vmem>>
          %dma_start3A_81 = tpu.memref_squeeze %dma_start3A_80 : memref<1x1x1024xi32, #tpu.memory_space<vmem>> -> memref<1024xi32, #tpu.memory_space<vmem>>
          %dma_start3A_82 = arith.constant 0 : i32
          %dma_start3A_83 = arith.constant 0 : i32
          %dma_start3A_84 = tpu.memref_slice %arg2[%dma_start3A_82, %dma_start3A_83] : memref<10000x16xf32, #tpu.memory_space<hbm>> -> memref<10000x16xf32, #tpu.memory_space<hbm>>
          tpu.enqueue_indirect_dma source(%dma_start3A_84 : memref<10000x16xf32, #tpu.memory_space<hbm>>) target(%arg7 : memref<1024x16xf32, #tpu.memory_space<vmem>>) offsets(%dma_start3A_81 : memref<1024xi32, #tpu.memory_space<vmem>>) semaphore(%arg11 : memref<!tpu.dma_semaphore, #tpu.memory_space<semaphore_mem>>)
        } else {
        }
        %add3A_73 = arith.constant 1 : i32
        %add3A_74 = arith.addi %mul3A_38, %add3A_73 : i32
        %run_scoped3A_75 = arith.constant 0 : i32
        "tpu.region"() ({
          %run_scoped3A_76 = tpu.sem_alloc : memref<!tpu.dma_semaphore, #tpu.memory_space<semaphore_mem>>
          %dma_start3A_77 = arith.constant 0 : i32
          %dma_start3A_78 = tpu.memref_slice %arg10[%add3A_74, %run_scoped3A_75, %dma_start3A_77] : memref<5x1x1024xi32, #tpu.memory_space<vmem>> -> memref<1x1x1024xi32, #tpu.memory_space<vmem>>
          %dma_start3A_79 = tpu.memref_squeeze %dma_start3A_78 : memref<1x1x1024xi32, #tpu.memory_space<vmem>> -> memref<1024xi32, #tpu.memory_space<vmem>>
          %dma_start3A_80 = arith.constant 0 : i32
          %dma_start3A_81 = arith.constant 0 : i32
          %dma_start3A_82 = tpu.memref_slice %arg6[%dma_start3A_80, %dma_start3A_81] : memref<10240x16xf32, #tpu.memory_space<vmem_shared>> -> memref<10240x16xf32, #tpu.memory_space<vmem_shared>>
          tpu.enqueue_indirect_dma source(%arg8 : memref<1024x16xf32, #tpu.memory_space<vmem>>) target(%dma_start3A_82 : memref<10240x16xf32, #tpu.memory_space<vmem_shared>>) offsets(%dma_start3A_79 : memref<1024xi32, #tpu.memory_space<vmem>>) semaphore(%run_scoped3A_76 : memref<!tpu.dma_semaphore, #tpu.memory_space<semaphore_mem>>) {add = true}
          %dma_wait3A_83 = arith.constant 0 : i32
          %dma_wait3A_84 = tpu.memref_slice %arg10[%add3A_74, %run_scoped3A_75, %dma_wait3A_83] : memref<5x1x1024xi32, #tpu.memory_space<vmem>> -> memref<1x1x1024xi32, #tpu.memory_space<vmem>>
          %dma_wait3A_85 = tpu.memref_squeeze %dma_wait3A_84 : memref<1x1x1024xi32, #tpu.memory_space<vmem>> -> memref<1024xi32, #tpu.memory_space<vmem>>
          %dma_wait3A_86 = arith.constant 0 : i32
          %dma_wait3A_87 = arith.constant 0 : i32
          %dma_wait3A_88 = tpu.memref_slice %arg6[%dma_wait3A_86, %dma_wait3A_87] : memref<10240x16xf32, #tpu.memory_space<vmem_shared>> -> memref<10240x16xf32, #tpu.memory_space<vmem_shared>>
          tpu.wait_indirect_dma semaphore(%run_scoped3A_76 : memref<!tpu.dma_semaphore, #tpu.memory_space<semaphore_mem>>) src(%arg8 : memref<1024x16xf32, #tpu.memory_space<vmem>>) dst(%dma_wait3A_88 : memref<10240x16xf32, #tpu.memory_space<vmem_shared>>)
          tpu.yield
        }) : () -> ()
      } else {
      }
      %scan3A_56 = arith.constant 0 : i32
      scf.yield %scan3A_56 : i32
    }
    %scan3A_31 = arith.constant 3 : i32
    %barrier3A_32 = arith.constant 0 : index
    tpu.barrier barrier_id(%barrier3A_32)
    %mul3A_33 = arith.constant 640 : i32
    %mul3A_34 = arith.muli %arg1, %mul3A_33 : i32
    "tpu.region"() ({
      %run_scoped3A = tpu.sem_alloc : memref<!tpu.dma_semaphore, #tpu.memory_space<semaphore_mem>>
      %dma_start3A_35 = arith.constant 0 : i32
      %dma_start3A_36 = tpu.memref_slice %arg5[%arg0, %mul3A_34, %dma_start3A_35] : memref<2x10240x128xf32, #tpu.memory_space<hbm>> -> memref<1x640x16xf32, #tpu.memory_space<hbm>>
      %dma_start3A_37 = tpu.memref_squeeze %dma_start3A_36 : memref<1x640x16xf32, #tpu.memory_space<hbm>> -> memref<640x16xf32, #tpu.memory_space<hbm>>
      %dma_start3A_38 = arith.constant 0 : i32
      %dma_start3A_39 = tpu.memref_slice %arg6[%mul3A_34, %dma_start3A_38] : memref<10240x16xf32, #tpu.memory_space<vmem_shared>> -> memref<640x16xf32, #tpu.memory_space<vmem_shared>>
      tpu.enqueue_dma source(%dma_start3A_39 : memref<640x16xf32, #tpu.memory_space<vmem_shared>>) target(%dma_start3A_37 : memref<640x16xf32, #tpu.memory_space<hbm>>) target_semaphore(%run_scoped3A : memref<!tpu.dma_semaphore, #tpu.memory_space<semaphore_mem>>)
      %dma_wait3A = arith.constant 0 : i32
      %dma_wait3A_40 = tpu.memref_slice %arg5[%arg0, %mul3A_34, %dma_wait3A] : memref<2x10240x128xf32, #tpu.memory_space<hbm>> -> memref<1x640x16xf32, #tpu.memory_space<hbm>>
      %dma_wait3A_41 = tpu.memref_squeeze %dma_wait3A_40 : memref<1x640x16xf32, #tpu.memory_space<hbm>> -> memref<640x16xf32, #tpu.memory_space<hbm>>
      %dma_wait3A_42 = arith.constant 0 : i32
      %dma_wait3A_43 = tpu.memref_slice %arg6[%mul3A_34, %dma_wait3A_42] : memref<10240x16xf32, #tpu.memory_space<vmem_shared>> -> memref<640x16xf32, #tpu.memory_space<vmem_shared>>
      tpu.wait_dma2 semaphore(%run_scoped3A : memref<!tpu.dma_semaphore, #tpu.memory_space<semaphore_mem>>) src(%dma_wait3A_43 : memref<640x16xf32, #tpu.memory_space<vmem_shared>>) dst(%dma_wait3A_41 : memref<640x16xf32, #tpu.memory_space<hbm>>)
      tpu.yield
    }) : () -> ()
    return
  }
}

#map = affine_map<(d0, d1) -> (0, 0)>
#map1 = affine_map<(d0, d1) -> (0, 0, 0)>
module attributes {stable_mosaic.version = 14 : i64} {
  func.func @body(%arg0: i32, %arg1: i32, %arg2: memref<10000x64xf32, #tpu.memory_space<hbm>>, %arg3: memref<320x1x512xi32, #tpu.memory_space<hbm>>, %arg4: memref<320x1x512xi32, #tpu.memory_space<hbm>>, %arg5: memref<2x10240x128xf32, #tpu.memory_space<hbm>>, %arg6: memref<10240x64xf32, #tpu.memory_space<vmem_shared>>, %arg7: memref<512x64xf32, #tpu.memory_space<vmem>>, %arg8: memref<512x64xf32, #tpu.memory_space<vmem>>, %arg9: memref<10x1x512xi32, #tpu.memory_space<vmem>>, %arg10: memref<10x1x512xi32, #tpu.memory_space<vmem>>, %arg11: memref<!tpu.dma_semaphore, #tpu.memory_space<semaphore_mem>>, %arg12: memref<!tpu.dma_semaphore, #tpu.memory_space<semaphore_mem>>) attributes {dimension_semantics = [#tpu.dimension_semantics<core_parallel>, #tpu.dimension_semantics<subcore_parallel>], iteration_bounds = array<i64: 2, 16>, scalar_prefetch = 0 : i64, scratch_operands = 7 : i64, tpu.core_type = #tpu.core_type<sc_vector_subcore>, window_params = [{transform_indices = #map}, {transform_indices = #map1}, {transform_indices = #map1}, {transform_indices = #map1}]} {
    %mul3A = arith.constant 16 : i32
    %mul3A_0 = arith.muli %arg0, %mul3A : i32
    %add3A = arith.addi %mul3A_0, %arg1 : i32
    %scan3A = arith.constant 0 : i32
    %scan3A_1 = arith.constant 0 : i32
    %scan3A_2 = arith.constant 512 : i32
    %scan3A_3 = arith.addi %scan3A_1, %scan3A_2 : i32
    %scan3A_4 = arith.constant 1 : i32
    %scan3A_5 = scf.for %scan3A_35 = %scan3A_1 to %scan3A_3 step %scan3A_4 iter_args(%scan3A_36 = %scan3A) -> (i32)  : i32 {
      %scan3A_37 = arith.constant 0 : i32
      %scan3A_38 = arith.constant 0 : i32
      %scan3A_39 = arith.constant 4 : i32
      %scan3A_40 = arith.addi %scan3A_38, %scan3A_39 : i32
      %scan3A_41 = arith.constant 1 : i32
      %scan3A_42 = scf.for %scan3A_44 = %scan3A_38 to %scan3A_40 step %scan3A_41 iter_args(%scan3A_45 = %scan3A_37) -> (i32)  : i32 {
        %broadcast_in_dim3A = arith.constant 0.000000e+00 : f32
        %broadcast_in_dim3A_46 = vector.broadcast %broadcast_in_dim3A : f32 to vector<16xf32>
        %mul3A_47 = arith.constant 16 : i32
        %mul3A_48 = arith.muli %scan3A_44, %mul3A_47 : i32
        %swap3A = arith.index_cast %scan3A_35 : i32 to index
        %swap3A_49 = arith.index_cast %mul3A_48 : i32 to index
        %swap3A_50 = tpu.vector_load %arg8[%swap3A, %swap3A_49] {strides = array<i32>} : memref<512x64xf32, #tpu.memory_space<vmem>>, vector<1x16xf32>,
        %swap3A_51 = vector.shape_cast %swap3A_50 : vector<1x16xf32> to vector<16xf32>
        %swap3A_52 = vector.shape_cast %broadcast_in_dim3A_46 : vector<16xf32> to vector<1x16xf32>
        tpu.vector_store %arg8[%swap3A, %swap3A_49], %swap3A_52 {strides = array<i32>} : memref<512x64xf32, #tpu.memory_space<vmem>>, vector<1x16xf32>,
        %scan3A_53 = arith.constant 0 : i32
        scf.yield %scan3A_53 : i32
      }
      %scan3A_43 = arith.constant 4 : i32
      scf.yield %scan3A_42 : i32
    }
    %scan3A_6 = arith.constant 512 : i32
    %scan3A_7 = arith.constant 0 : i32
    %scan3A_8 = arith.constant 0 : i32
    %scan3A_9 = arith.constant 5 : i32
    %scan3A_10 = arith.addi %scan3A_8, %scan3A_9 : i32
    %scan3A_11 = arith.constant 1 : i32
    %scan3A_12 = scf.for %scan3A_35 = %scan3A_8 to %scan3A_10 step %scan3A_11 iter_args(%scan3A_36 = %scan3A_7) -> (i32)  : i32 {
      %mul3A_37 = arith.constant 640 : i32
      %mul3A_38 = arith.muli %arg1, %mul3A_37 : i32
      %mul3A_39 = arith.constant 128 : i32
      %mul3A_40 = arith.muli %scan3A_35, %mul3A_39 : i32
      %add3A_41 = arith.addi %mul3A_38, %mul3A_40 : i32
      "tpu.region"() ({
        %run_scoped3A = tpu.sem_alloc : memref<!tpu.dma_semaphore, #tpu.memory_space<semaphore_mem>>
        %dma_start3A_43 = arith.constant 0 : i32
        %dma_start3A_44 = arith.constant 0 : i32
        %dma_start3A_45 = tpu.memref_slice %arg8[%dma_start3A_43, %dma_start3A_44] : memref<512x64xf32, #tpu.memory_space<vmem>> -> memref<128x64xf32, #tpu.memory_space<vmem>>
        %dma_start3A_46 = arith.constant 0 : i32
        %dma_start3A_47 = tpu.memref_slice %arg6[%add3A_41, %dma_start3A_46] : memref<10240x64xf32, #tpu.memory_space<vmem_shared>> -> memref<128x64xf32, #tpu.memory_space<vmem_shared>>
        %dma_start3A_48 = arith.constant 0 : i32
        %dma_start3A_49 = tpu.memref_slice %arg6[%add3A_41, %dma_start3A_48] : memref<10240x64xf32, #tpu.memory_space<vmem_shared>> -> memref<128x64xf32, #tpu.memory_space<vmem_shared>>
        %dma_start3A_50 = arith.constant 0 : i32
        %dma_start3A_51 = arith.constant 0 : i32
        %dma_start3A_52 = tpu.memref_slice %arg8[%dma_start3A_50, %dma_start3A_51] : memref<512x64xf32, #tpu.memory_space<vmem>> -> memref<128x64xf32, #tpu.memory_space<vmem>>
        tpu.enqueue_dma source(%dma_start3A_52 : memref<128x64xf32, #tpu.memory_space<vmem>>) target(%dma_start3A_49 : memref<128x64xf32, #tpu.memory_space<vmem_shared>>) target_semaphore(%run_scoped3A : memref<!tpu.dma_semaphore, #tpu.memory_space<semaphore_mem>>)
        %dma_wait3A = arith.constant 0 : i32
        %dma_wait3A_53 = arith.constant 0 : i32
        %dma_wait3A_54 = tpu.memref_slice %arg8[%dma_wait3A, %dma_wait3A_53] : memref<512x64xf32, #tpu.memory_space<vmem>> -> memref<128x64xf32, #tpu.memory_space<vmem>>
        %dma_wait3A_55 = arith.constant 0 : i32
        %dma_wait3A_56 = tpu.memref_slice %arg6[%add3A_41, %dma_wait3A_55] : memref<10240x64xf32, #tpu.memory_space<vmem_shared>> -> memref<128x64xf32, #tpu.memory_space<vmem_shared>>
        %dma_wait3A_57 = arith.constant 0 : i32
        %dma_wait3A_58 = tpu.memref_slice %arg6[%add3A_41, %dma_wait3A_57] : memref<10240x64xf32, #tpu.memory_space<vmem_shared>> -> memref<128x64xf32, #tpu.memory_space<vmem_shared>>
        %dma_wait3A_59 = arith.constant 0 : i32
        %dma_wait3A_60 = arith.constant 0 : i32
        %dma_wait3A_61 = tpu.memref_slice %arg8[%dma_wait3A_59, %dma_wait3A_60] : memref<512x64xf32, #tpu.memory_space<vmem>> -> memref<128x64xf32, #tpu.memory_space<vmem>>
        tpu.wait_dma2 semaphore(%run_scoped3A : memref<!tpu.dma_semaphore, #tpu.memory_space<semaphore_mem>>) src(%dma_wait3A_61 : memref<128x64xf32, #tpu.memory_space<vmem>>) dst(%dma_wait3A_58 : memref<128x64xf32, #tpu.memory_space<vmem_shared>>)
        tpu.yield
      }) : () -> ()
      %scan3A_42 = arith.constant 0 : i32
      scf.yield %scan3A_42 : i32
    }
    %scan3A_13 = arith.constant 5 : i32
    %mul3A_14 = arith.constant 10 : i32
    %mul3A_15 = arith.muli %add3A, %mul3A_14 : i32
    "tpu.region"() ({
      %run_scoped3A = tpu.sem_alloc : memref<!tpu.dma_semaphore, #tpu.memory_space<semaphore_mem>>
      %dma_start3A_35 = arith.constant 0 : i32
      %dma_start3A_36 = arith.constant 0 : i32
      %dma_start3A_37 = tpu.memref_slice %arg3[%mul3A_15, %dma_start3A_35, %dma_start3A_36] : memref<320x1x512xi32, #tpu.memory_space<hbm>> -> memref<10x1x512xi32, #tpu.memory_space<hbm>>
      %dma_start3A_38 = arith.constant 0 : i32
      %dma_start3A_39 = arith.constant 0 : i32
      %dma_start3A_40 = tpu.memref_slice %arg3[%mul3A_15, %dma_start3A_38, %dma_start3A_39] : memref<320x1x512xi32, #tpu.memory_space<hbm>> -> memref<10x1x512xi32, #tpu.memory_space<hbm>>
      tpu.enqueue_dma source(%dma_start3A_40 : memref<10x1x512xi32, #tpu.memory_space<hbm>>) target(%arg9 : memref<10x1x512xi32, #tpu.memory_space<vmem>>) target_semaphore(%run_scoped3A : memref<!tpu.dma_semaphore, #tpu.memory_space<semaphore_mem>>)
      %dma_wait3A = arith.constant 0 : i32
      %dma_wait3A_41 = arith.constant 0 : i32
      %dma_wait3A_42 = tpu.memref_slice %arg3[%mul3A_15, %dma_wait3A, %dma_wait3A_41] : memref<320x1x512xi32, #tpu.memory_space<hbm>> -> memref<10x1x512xi32, #tpu.memory_space<hbm>>
      %dma_wait3A_43 = arith.constant 0 : i32
      %dma_wait3A_44 = arith.constant 0 : i32
      %dma_wait3A_45 = tpu.memref_slice %arg3[%mul3A_15, %dma_wait3A_43, %dma_wait3A_44] : memref<320x1x512xi32, #tpu.memory_space<hbm>> -> memref<10x1x512xi32, #tpu.memory_space<hbm>>
      tpu.wait_dma2 semaphore(%run_scoped3A : memref<!tpu.dma_semaphore, #tpu.memory_space<semaphore_mem>>) src(%dma_wait3A_45 : memref<10x1x512xi32, #tpu.memory_space<hbm>>) dst(%arg9 : memref<10x1x512xi32, #tpu.memory_space<vmem>>)
      tpu.yield
    }) : () -> ()
    %mul3A_16 = arith.constant 10 : i32
    %mul3A_17 = arith.muli %add3A, %mul3A_16 : i32
    "tpu.region"() ({
      %run_scoped3A = tpu.sem_alloc : memref<!tpu.dma_semaphore, #tpu.memory_space<semaphore_mem>>
      %dma_start3A_35 = arith.constant 0 : i32
      %dma_start3A_36 = arith.constant 0 : i32
      %dma_start3A_37 = tpu.memref_slice %arg4[%mul3A_17, %dma_start3A_35, %dma_start3A_36] : memref<320x1x512xi32, #tpu.memory_space<hbm>> -> memref<10x1x512xi32, #tpu.memory_space<hbm>>
      %dma_start3A_38 = arith.constant 0 : i32
      %dma_start3A_39 = arith.constant 0 : i32
      %dma_start3A_40 = tpu.memref_slice %arg4[%mul3A_17, %dma_start3A_38, %dma_start3A_39] : memref<320x1x512xi32, #tpu.memory_space<hbm>> -> memref<10x1x512xi32, #tpu.memory_space<hbm>>
      tpu.enqueue_dma source(%dma_start3A_40 : memref<10x1x512xi32, #tpu.memory_space<hbm>>) target(%arg10 : memref<10x1x512xi32, #tpu.memory_space<vmem>>) target_semaphore(%run_scoped3A : memref<!tpu.dma_semaphore, #tpu.memory_space<semaphore_mem>>)
      %dma_wait3A = arith.constant 0 : i32
      %dma_wait3A_41 = arith.constant 0 : i32
      %dma_wait3A_42 = tpu.memref_slice %arg4[%mul3A_17, %dma_wait3A, %dma_wait3A_41] : memref<320x1x512xi32, #tpu.memory_space<hbm>> -> memref<10x1x512xi32, #tpu.memory_space<hbm>>
      %dma_wait3A_43 = arith.constant 0 : i32
      %dma_wait3A_44 = arith.constant 0 : i32
      %dma_wait3A_45 = tpu.memref_slice %arg4[%mul3A_17, %dma_wait3A_43, %dma_wait3A_44] : memref<320x1x512xi32, #tpu.memory_space<hbm>> -> memref<10x1x512xi32, #tpu.memory_space<hbm>>
      tpu.wait_dma2 semaphore(%run_scoped3A : memref<!tpu.dma_semaphore, #tpu.memory_space<semaphore_mem>>) src(%dma_wait3A_45 : memref<10x1x512xi32, #tpu.memory_space<hbm>>) dst(%arg10 : memref<10x1x512xi32, #tpu.memory_space<vmem>>)
      tpu.yield
    }) : () -> ()
    %barrier3A = arith.constant 0 : index
    tpu.barrier barrier_id(%barrier3A)
    %dma_start3A = arith.constant 0 : i32
    %dma_start3A_18 = arith.constant 0 : i32
    %dma_start3A_19 = arith.constant 0 : i32
    %dma_start3A_20 = tpu.memref_slice %arg9[%dma_start3A, %dma_start3A_18, %dma_start3A_19] : memref<10x1x512xi32, #tpu.memory_space<vmem>> -> memref<1x1x512xi32, #tpu.memory_space<vmem>>
    %dma_start3A_21 = tpu.memref_squeeze %dma_start3A_20 : memref<1x1x512xi32, #tpu.memory_space<vmem>> -> memref<512xi32, #tpu.memory_space<vmem>>
    %dma_start3A_22 = arith.constant 0 : i32
    %dma_start3A_23 = arith.constant 0 : i32
    %dma_start3A_24 = tpu.memref_slice %arg2[%dma_start3A_22, %dma_start3A_23] : memref<10000x64xf32, #tpu.memory_space<hbm>> -> memref<10000x64xf32, #tpu.memory_space<hbm>>
    tpu.enqueue_indirect_dma source(%dma_start3A_24 : memref<10000x64xf32, #tpu.memory_space<hbm>>) target(%arg7 : memref<512x64xf32, #tpu.memory_space<vmem>>) offsets(%dma_start3A_21 : memref<512xi32, #tpu.memory_space<vmem>>) semaphore(%arg11 : memref<!tpu.dma_semaphore, #tpu.memory_space<semaphore_mem>>)
    %scan3A_25 = arith.constant 0 : i32
    %scan3A_26 = arith.constant 0 : i32
    %scan3A_27 = arith.constant 5 : i32
    %scan3A_28 = arith.addi %scan3A_26, %scan3A_27 : i32
    %scan3A_29 = arith.constant 1 : i32
    %scan3A_30 = scf.for %scan3A_35 = %scan3A_26 to %scan3A_28 step %scan3A_29 iter_args(%scan3A_36 = %scan3A_25) -> (i32)  : i32 {
      %mul3A_37 = arith.constant 2 : i32
      %mul3A_38 = arith.muli %mul3A_37, %scan3A_35 : i32
      %dma_wait3A = arith.constant 0 : i32
      %dma_wait3A_39 = arith.constant 0 : i32
      %dma_wait3A_40 = tpu.memref_slice %arg9[%mul3A_38, %dma_wait3A, %dma_wait3A_39] : memref<10x1x512xi32, #tpu.memory_space<vmem>> -> memref<1x1x512xi32, #tpu.memory_space<vmem>>
      %dma_wait3A_41 = tpu.memref_squeeze %dma_wait3A_40 : memref<1x1x512xi32, #tpu.memory_space<vmem>> -> memref<512xi32, #tpu.memory_space<vmem>>
      %dma_wait3A_42 = arith.constant 0 : i32
      %dma_wait3A_43 = arith.constant 0 : i32
      %dma_wait3A_44 = tpu.memref_slice %arg2[%dma_wait3A_42, %dma_wait3A_43] : memref<10000x64xf32, #tpu.memory_space<hbm>> -> memref<10000x64xf32, #tpu.memory_space<hbm>>
      tpu.wait_indirect_dma semaphore(%arg11 : memref<!tpu.dma_semaphore, #tpu.memory_space<semaphore_mem>>) src(%dma_wait3A_44 : memref<10000x64xf32, #tpu.memory_space<hbm>>) dst(%arg7 : memref<512x64xf32, #tpu.memory_space<vmem>>)
      %add3A_45 = arith.constant 1 : i32
      %add3A_46 = arith.addi %mul3A_38, %add3A_45 : i32
      %lt3A = arith.constant 10 : i32
      %lt3A_47 = arith.cmpi slt, %add3A_46, %lt3A : i32
      %convert_element_type3A = arith.extui %lt3A_47 : i1 to i32
      %cond3A = arith.constant 0 : i32
      %cond3A_48 = arith.cmpi ne, %convert_element_type3A, %cond3A : i32
      scf.if %cond3A_48 {
        %add3A_57 = arith.constant 1 : i32
        %add3A_58 = arith.addi %mul3A_38, %add3A_57 : i32
        %dma_start3A_59 = arith.constant 0 : i32
        %dma_start3A_60 = arith.constant 0 : i32
        %dma_start3A_61 = tpu.memref_slice %arg9[%add3A_58, %dma_start3A_59, %dma_start3A_60] : memref<10x1x512xi32, #tpu.memory_space<vmem>> -> memref<1x1x512xi32, #tpu.memory_space<vmem>>
        %dma_start3A_62 = tpu.memref_squeeze %dma_start3A_61 : memref<1x1x512xi32, #tpu.memory_space<vmem>> -> memref<512xi32, #tpu.memory_space<vmem>>
        %dma_start3A_63 = arith.constant 0 : i32
        %dma_start3A_64 = arith.constant 0 : i32
        %dma_start3A_65 = tpu.memref_slice %arg2[%dma_start3A_63, %dma_start3A_64] : memref<10000x64xf32, #tpu.memory_space<hbm>> -> memref<10000x64xf32, #tpu.memory_space<hbm>>
        tpu.enqueue_indirect_dma source(%dma_start3A_65 : memref<10000x64xf32, #tpu.memory_space<hbm>>) target(%arg8 : memref<512x64xf32, #tpu.memory_space<vmem>>) offsets(%dma_start3A_62 : memref<512xi32, #tpu.memory_space<vmem>>) semaphore(%arg12 : memref<!tpu.dma_semaphore, #tpu.memory_space<semaphore_mem>>)
      } else {
      }
      %run_scoped3A = arith.constant 0 : i32
      "tpu.region"() ({
        %run_scoped3A_57 = tpu.sem_alloc : memref<!tpu.dma_semaphore, #tpu.memory_space<semaphore_mem>>
        %dma_start3A_58 = arith.constant 0 : i32
        %dma_start3A_59 = tpu.memref_slice %arg10[%mul3A_38, %run_scoped3A, %dma_start3A_58] : memref<10x1x512xi32, #tpu.memory_space<vmem>> -> memref<1x1x512xi32, #tpu.memory_space<vmem>>
        %dma_start3A_60 = tpu.memref_squeeze %dma_start3A_59 : memref<1x1x512xi32, #tpu.memory_space<vmem>> -> memref<512xi32, #tpu.memory_space<vmem>>
        %dma_start3A_61 = arith.constant 0 : i32
        %dma_start3A_62 = arith.constant 0 : i32
        %dma_start3A_63 = tpu.memref_slice %arg6[%dma_start3A_61, %dma_start3A_62] : memref<10240x64xf32, #tpu.memory_space<vmem_shared>> -> memref<10240x64xf32, #tpu.memory_space<vmem_shared>>
        tpu.enqueue_indirect_dma source(%arg7 : memref<512x64xf32, #tpu.memory_space<vmem>>) target(%dma_start3A_63 : memref<10240x64xf32, #tpu.memory_space<vmem_shared>>) offsets(%dma_start3A_60 : memref<512xi32, #tpu.memory_space<vmem>>) semaphore(%run_scoped3A_57 : memref<!tpu.dma_semaphore, #tpu.memory_space<semaphore_mem>>) {add = true}
        %dma_wait3A_64 = arith.constant 0 : i32
        %dma_wait3A_65 = tpu.memref_slice %arg10[%mul3A_38, %run_scoped3A, %dma_wait3A_64] : memref<10x1x512xi32, #tpu.memory_space<vmem>> -> memref<1x1x512xi32, #tpu.memory_space<vmem>>
        %dma_wait3A_66 = tpu.memref_squeeze %dma_wait3A_65 : memref<1x1x512xi32, #tpu.memory_space<vmem>> -> memref<512xi32, #tpu.memory_space<vmem>>
        %dma_wait3A_67 = arith.constant 0 : i32
        %dma_wait3A_68 = arith.constant 0 : i32
        %dma_wait3A_69 = tpu.memref_slice %arg6[%dma_wait3A_67, %dma_wait3A_68] : memref<10240x64xf32, #tpu.memory_space<vmem_shared>> -> memref<10240x64xf32, #tpu.memory_space<vmem_shared>>
        tpu.wait_indirect_dma semaphore(%run_scoped3A_57 : memref<!tpu.dma_semaphore, #tpu.memory_space<semaphore_mem>>) src(%arg7 : memref<512x64xf32, #tpu.memory_space<vmem>>) dst(%dma_wait3A_69 : memref<10240x64xf32, #tpu.memory_space<vmem_shared>>)
        tpu.yield
      }) : () -> ()
      %add3A_49 = arith.constant 1 : i32
      %add3A_50 = arith.addi %mul3A_38, %add3A_49 : i32
      %lt3A_51 = arith.constant 10 : i32
      %lt3A_52 = arith.cmpi slt, %add3A_50, %lt3A_51 : i32
      %convert_element_type3A_53 = arith.extui %lt3A_52 : i1 to i32
      %cond3A_54 = arith.constant 0 : i32
      %cond3A_55 = arith.cmpi ne, %convert_element_type3A_53, %cond3A_54 : i32
      scf.if %cond3A_55 {
        %add3A_57 = arith.constant 1 : i32
        %add3A_58 = arith.addi %mul3A_38, %add3A_57 : i32
        %dma_wait3A_59 = arith.constant 0 : i32
        %dma_wait3A_60 = arith.constant 0 : i32
        %dma_wait3A_61 = tpu.memref_slice %arg9[%add3A_58, %dma_wait3A_59, %dma_wait3A_60] : memref<10x1x512xi32, #tpu.memory_space<vmem>> -> memref<1x1x512xi32, #tpu.memory_space<vmem>>
        %dma_wait3A_62 = tpu.memref_squeeze %dma_wait3A_61 : memref<1x1x512xi32, #tpu.memory_space<vmem>> -> memref<512xi32, #tpu.memory_space<vmem>>
        %dma_wait3A_63 = arith.constant 0 : i32
        %dma_wait3A_64 = arith.constant 0 : i32
        %dma_wait3A_65 = tpu.memref_slice %arg2[%dma_wait3A_63, %dma_wait3A_64] : memref<10000x64xf32, #tpu.memory_space<hbm>> -> memref<10000x64xf32, #tpu.memory_space<hbm>>
        tpu.wait_indirect_dma semaphore(%arg12 : memref<!tpu.dma_semaphore, #tpu.memory_space<semaphore_mem>>) src(%dma_wait3A_65 : memref<10000x64xf32, #tpu.memory_space<hbm>>) dst(%arg8 : memref<512x64xf32, #tpu.memory_space<vmem>>)
        %add3A_66 = arith.constant 2 : i32
        %add3A_67 = arith.addi %mul3A_38, %add3A_66 : i32
        %lt3A_68 = arith.constant 10 : i32
        %lt3A_69 = arith.cmpi slt, %add3A_67, %lt3A_68 : i32
        %convert_element_type3A_70 = arith.extui %lt3A_69 : i1 to i32
        %cond3A_71 = arith.constant 0 : i32
        %cond3A_72 = arith.cmpi ne, %convert_element_type3A_70, %cond3A_71 : i32
        scf.if %cond3A_72 {
          %add3A_76 = arith.constant 2 : i32
          %add3A_77 = arith.addi %mul3A_38, %add3A_76 : i32
          %dma_start3A_78 = arith.constant 0 : i32
          %dma_start3A_79 = arith.constant 0 : i32
          %dma_start3A_80 = tpu.memref_slice %arg9[%add3A_77, %dma_start3A_78, %dma_start3A_79] : memref<10x1x512xi32, #tpu.memory_space<vmem>> -> memref<1x1x512xi32, #tpu.memory_space<vmem>>
          %dma_start3A_81 = tpu.memref_squeeze %dma_start3A_80 : memref<1x1x512xi32, #tpu.memory_space<vmem>> -> memref<512xi32, #tpu.memory_space<vmem>>
          %dma_start3A_82 = arith.constant 0 : i32
          %dma_start3A_83 = arith.constant 0 : i32
          %dma_start3A_84 = tpu.memref_slice %arg2[%dma_start3A_82, %dma_start3A_83] : memref<10000x64xf32, #tpu.memory_space<hbm>> -> memref<10000x64xf32, #tpu.memory_space<hbm>>
          tpu.enqueue_indirect_dma source(%dma_start3A_84 : memref<10000x64xf32, #tpu.memory_space<hbm>>) target(%arg7 : memref<512x64xf32, #tpu.memory_space<vmem>>) offsets(%dma_start3A_81 : memref<512xi32, #tpu.memory_space<vmem>>) semaphore(%arg11 : memref<!tpu.dma_semaphore, #tpu.memory_space<semaphore_mem>>)
        } else {
        }
        %add3A_73 = arith.constant 1 : i32
        %add3A_74 = arith.addi %mul3A_38, %add3A_73 : i32
        %run_scoped3A_75 = arith.constant 0 : i32
        "tpu.region"() ({
          %run_scoped3A_76 = tpu.sem_alloc : memref<!tpu.dma_semaphore, #tpu.memory_space<semaphore_mem>>
          %dma_start3A_77 = arith.constant 0 : i32
          %dma_start3A_78 = tpu.memref_slice %arg10[%add3A_74, %run_scoped3A_75, %dma_start3A_77] : memref<10x1x512xi32, #tpu.memory_space<vmem>> -> memref<1x1x512xi32, #tpu.memory_space<vmem>>
          %dma_start3A_79 = tpu.memref_squeeze %dma_start3A_78 : memref<1x1x512xi32, #tpu.memory_space<vmem>> -> memref<512xi32, #tpu.memory_space<vmem>>
          %dma_start3A_80 = arith.constant 0 : i32
          %dma_start3A_81 = arith.constant 0 : i32
          %dma_start3A_82 = tpu.memref_slice %arg6[%dma_start3A_80, %dma_start3A_81] : memref<10240x64xf32, #tpu.memory_space<vmem_shared>> -> memref<10240x64xf32, #tpu.memory_space<vmem_shared>>
          tpu.enqueue_indirect_dma source(%arg8 : memref<512x64xf32, #tpu.memory_space<vmem>>) target(%dma_start3A_82 : memref<10240x64xf32, #tpu.memory_space<vmem_shared>>) offsets(%dma_start3A_79 : memref<512xi32, #tpu.memory_space<vmem>>) semaphore(%run_scoped3A_76 : memref<!tpu.dma_semaphore, #tpu.memory_space<semaphore_mem>>) {add = true}
          %dma_wait3A_83 = arith.constant 0 : i32
          %dma_wait3A_84 = tpu.memref_slice %arg10[%add3A_74, %run_scoped3A_75, %dma_wait3A_83] : memref<10x1x512xi32, #tpu.memory_space<vmem>> -> memref<1x1x512xi32, #tpu.memory_space<vmem>>
          %dma_wait3A_85 = tpu.memref_squeeze %dma_wait3A_84 : memref<1x1x512xi32, #tpu.memory_space<vmem>> -> memref<512xi32, #tpu.memory_space<vmem>>
          %dma_wait3A_86 = arith.constant 0 : i32
          %dma_wait3A_87 = arith.constant 0 : i32
          %dma_wait3A_88 = tpu.memref_slice %arg6[%dma_wait3A_86, %dma_wait3A_87] : memref<10240x64xf32, #tpu.memory_space<vmem_shared>> -> memref<10240x64xf32, #tpu.memory_space<vmem_shared>>
          tpu.wait_indirect_dma semaphore(%run_scoped3A_76 : memref<!tpu.dma_semaphore, #tpu.memory_space<semaphore_mem>>) src(%arg8 : memref<512x64xf32, #tpu.memory_space<vmem>>) dst(%dma_wait3A_88 : memref<10240x64xf32, #tpu.memory_space<vmem_shared>>)
          tpu.yield
        }) : () -> ()
      } else {
      }
      %scan3A_56 = arith.constant 0 : i32
      scf.yield %scan3A_56 : i32
    }
    %scan3A_31 = arith.constant 5 : i32
    %barrier3A_32 = arith.constant 0 : index
    tpu.barrier barrier_id(%barrier3A_32)
    %mul3A_33 = arith.constant 640 : i32
    %mul3A_34 = arith.muli %arg1, %mul3A_33 : i32
    "tpu.region"() ({
      %run_scoped3A = tpu.sem_alloc : memref<!tpu.dma_semaphore, #tpu.memory_space<semaphore_mem>>
      %dma_start3A_35 = arith.constant 0 : i32
      %dma_start3A_36 = tpu.memref_slice %arg5[%arg0, %mul3A_34, %dma_start3A_35] : memref<2x10240x128xf32, #tpu.memory_space<hbm>> -> memref<1x640x64xf32, #tpu.memory_space<hbm>>
      %dma_start3A_37 = tpu.memref_squeeze %dma_start3A_36 : memref<1x640x64xf32, #tpu.memory_space<hbm>> -> memref<640x64xf32, #tpu.memory_space<hbm>>
      %dma_start3A_38 = arith.constant 0 : i32
      %dma_start3A_39 = tpu.memref_slice %arg6[%mul3A_34, %dma_start3A_38] : memref<10240x64xf32, #tpu.memory_space<vmem_shared>> -> memref<640x64xf32, #tpu.memory_space<vmem_shared>>
      tpu.enqueue_dma source(%dma_start3A_39 : memref<640x64xf32, #tpu.memory_space<vmem_shared>>) target(%dma_start3A_37 : memref<640x64xf32, #tpu.memory_space<hbm>>) target_semaphore(%run_scoped3A : memref<!tpu.dma_semaphore, #tpu.memory_space<semaphore_mem>>)
      %dma_wait3A = arith.constant 0 : i32
      %dma_wait3A_40 = tpu.memref_slice %arg5[%arg0, %mul3A_34, %dma_wait3A] : memref<2x10240x128xf32, #tpu.memory_space<hbm>> -> memref<1x640x64xf32, #tpu.memory_space<hbm>>
      %dma_wait3A_41 = tpu.memref_squeeze %dma_wait3A_40 : memref<1x640x64xf32, #tpu.memory_space<hbm>> -> memref<640x64xf32, #tpu.memory_space<hbm>>
      %dma_wait3A_42 = arith.constant 0 : i32
      %dma_wait3A_43 = tpu.memref_slice %arg6[%mul3A_34, %dma_wait3A_42] : memref<10240x64xf32, #tpu.memory_space<vmem_shared>> -> memref<640x64xf32, #tpu.memory_space<vmem_shared>>
      tpu.wait_dma2 semaphore(%run_scoped3A : memref<!tpu.dma_semaphore, #tpu.memory_space<semaphore_mem>>) src(%dma_wait3A_43 : memref<640x64xf32, #tpu.memory_space<vmem_shared>>) dst(%dma_wait3A_41 : memref<640x64xf32, #tpu.memory_space<hbm>>)
      tpu.yield
    }) : () -> ()
    return
  }
}

#map = affine_map<(d0, d1) -> (0, 0)>
#map1 = affine_map<(d0, d1) -> (0, 0, 0)>
module attributes {stable_mosaic.version = 14 : i64} {
  func.func @body(%arg0: i32, %arg1: i32, %arg2: memref<10000x128xf32, #tpu.memory_space<hbm>>, %arg3: memref<1280x1x128xi32, #tpu.memory_space<hbm>>, %arg4: memref<1280x1x128xi32, #tpu.memory_space<hbm>>, %arg5: memref<2x10240x128xf32, #tpu.memory_space<hbm>>, %arg6: memref<10240x128xf32, #tpu.memory_space<vmem_shared>>, %arg7: memref<128x128xf32, #tpu.memory_space<vmem>>, %arg8: memref<128x128xf32, #tpu.memory_space<vmem>>, %arg9: memref<40x1x128xi32, #tpu.memory_space<vmem>>, %arg10: memref<40x1x128xi32, #tpu.memory_space<vmem>>, %arg11: memref<!tpu.dma_semaphore, #tpu.memory_space<semaphore_mem>>, %arg12: memref<!tpu.dma_semaphore, #tpu.memory_space<semaphore_mem>>) attributes {dimension_semantics = [#tpu.dimension_semantics<core_parallel>, #tpu.dimension_semantics<subcore_parallel>], iteration_bounds = array<i64: 2, 16>, scalar_prefetch = 0 : i64, scratch_operands = 7 : i64, tpu.core_type = #tpu.core_type<sc_vector_subcore>, window_params = [{transform_indices = #map}, {transform_indices = #map1}, {transform_indices = #map1}, {transform_indices = #map1}]} {
    %mul3A = arith.constant 16 : i32
    %mul3A_0 = arith.muli %arg0, %mul3A : i32
    %add3A = arith.addi %mul3A_0, %arg1 : i32
    %scan3A = arith.constant 0 : i32
    %scan3A_1 = arith.constant 0 : i32
    %scan3A_2 = arith.constant 128 : i32
    %scan3A_3 = arith.addi %scan3A_1, %scan3A_2 : i32
    %scan3A_4 = arith.constant 1 : i32
    %scan3A_5 = scf.for %scan3A_35 = %scan3A_1 to %scan3A_3 step %scan3A_4 iter_args(%scan3A_36 = %scan3A) -> (i32)  : i32 {
      %scan3A_37 = arith.constant 0 : i32
      %scan3A_38 = arith.constant 0 : i32
      %scan3A_39 = arith.constant 8 : i32
      %scan3A_40 = arith.addi %scan3A_38, %scan3A_39 : i32
      %scan3A_41 = arith.constant 1 : i32
      %scan3A_42 = scf.for %scan3A_44 = %scan3A_38 to %scan3A_40 step %scan3A_41 iter_args(%scan3A_45 = %scan3A_37) -> (i32)  : i32 {
        %broadcast_in_dim3A = arith.constant 0.000000e+00 : f32
        %broadcast_in_dim3A_46 = vector.broadcast %broadcast_in_dim3A : f32 to vector<16xf32>
        %mul3A_47 = arith.constant 16 : i32
        %mul3A_48 = arith.muli %scan3A_44, %mul3A_47 : i32
        %swap3A = arith.index_cast %scan3A_35 : i32 to index
        %swap3A_49 = arith.index_cast %mul3A_48 : i32 to index
        %swap3A_50 = tpu.vector_load %arg8[%swap3A, %swap3A_49] {strides = array<i32>} : memref<128x128xf32, #tpu.memory_space<vmem>>, vector<1x16xf32>,
        %swap3A_51 = vector.shape_cast %swap3A_50 : vector<1x16xf32> to vector<16xf32>
        %swap3A_52 = vector.shape_cast %broadcast_in_dim3A_46 : vector<16xf32> to vector<1x16xf32>
        tpu.vector_store %arg8[%swap3A, %swap3A_49], %swap3A_52 {strides = array<i32>} : memref<128x128xf32, #tpu.memory_space<vmem>>, vector<1x16xf32>,
        %scan3A_53 = arith.constant 0 : i32
        scf.yield %scan3A_53 : i32
      }
      %scan3A_43 = arith.constant 8 : i32
      scf.yield %scan3A_42 : i32
    }
    %scan3A_6 = arith.constant 128 : i32
    %scan3A_7 = arith.constant 0 : i32
    %scan3A_8 = arith.constant 0 : i32
    %scan3A_9 = arith.constant 5 : i32
    %scan3A_10 = arith.addi %scan3A_8, %scan3A_9 : i32
    %scan3A_11 = arith.constant 1 : i32
    %scan3A_12 = scf.for %scan3A_35 = %scan3A_8 to %scan3A_10 step %scan3A_11 iter_args(%scan3A_36 = %scan3A_7) -> (i32)  : i32 {
      %mul3A_37 = arith.constant 640 : i32
      %mul3A_38 = arith.muli %arg1, %mul3A_37 : i32
      %mul3A_39 = arith.constant 128 : i32
      %mul3A_40 = arith.muli %scan3A_35, %mul3A_39 : i32
      %add3A_41 = arith.addi %mul3A_38, %mul3A_40 : i32
      "tpu.region"() ({
        %run_scoped3A = tpu.sem_alloc : memref<!tpu.dma_semaphore, #tpu.memory_space<semaphore_mem>>
        %dma_start3A_43 = arith.constant 0 : i32
        %dma_start3A_44 = arith.constant 0 : i32
        %dma_start3A_45 = tpu.memref_slice %arg8[%dma_start3A_43, %dma_start3A_44] : memref<128x128xf32, #tpu.memory_space<vmem>> -> memref<128x128xf32, #tpu.memory_space<vmem>>
        %dma_start3A_46 = arith.constant 0 : i32
        %dma_start3A_47 = tpu.memref_slice %arg6[%add3A_41, %dma_start3A_46] : memref<10240x128xf32, #tpu.memory_space<vmem_shared>> -> memref<128x128xf32, #tpu.memory_space<vmem_shared>>
        %dma_start3A_48 = arith.constant 0 : i32
        %dma_start3A_49 = tpu.memref_slice %arg6[%add3A_41, %dma_start3A_48] : memref<10240x128xf32, #tpu.memory_space<vmem_shared>> -> memref<128x128xf32, #tpu.memory_space<vmem_shared>>
        %dma_start3A_50 = arith.constant 0 : i32
        %dma_start3A_51 = arith.constant 0 : i32
        %dma_start3A_52 = tpu.memref_slice %arg8[%dma_start3A_50, %dma_start3A_51] : memref<128x128xf32, #tpu.memory_space<vmem>> -> memref<128x128xf32, #tpu.memory_space<vmem>>
        tpu.enqueue_dma source(%dma_start3A_52 : memref<128x128xf32, #tpu.memory_space<vmem>>) target(%dma_start3A_49 : memref<128x128xf32, #tpu.memory_space<vmem_shared>>) target_semaphore(%run_scoped3A : memref<!tpu.dma_semaphore, #tpu.memory_space<semaphore_mem>>)
        %dma_wait3A = arith.constant 0 : i32
        %dma_wait3A_53 = arith.constant 0 : i32
        %dma_wait3A_54 = tpu.memref_slice %arg8[%dma_wait3A, %dma_wait3A_53] : memref<128x128xf32, #tpu.memory_space<vmem>> -> memref<128x128xf32, #tpu.memory_space<vmem>>
        %dma_wait3A_55 = arith.constant 0 : i32
        %dma_wait3A_56 = tpu.memref_slice %arg6[%add3A_41, %dma_wait3A_55] : memref<10240x128xf32, #tpu.memory_space<vmem_shared>> -> memref<128x128xf32, #tpu.memory_space<vmem_shared>>
        %dma_wait3A_57 = arith.constant 0 : i32
        %dma_wait3A_58 = tpu.memref_slice %arg6[%add3A_41, %dma_wait3A_57] : memref<10240x128xf32, #tpu.memory_space<vmem_shared>> -> memref<128x128xf32, #tpu.memory_space<vmem_shared>>
        %dma_wait3A_59 = arith.constant 0 : i32
        %dma_wait3A_60 = arith.constant 0 : i32
        %dma_wait3A_61 = tpu.memref_slice %arg8[%dma_wait3A_59, %dma_wait3A_60] : memref<128x128xf32, #tpu.memory_space<vmem>> -> memref<128x128xf32, #tpu.memory_space<vmem>>
        tpu.wait_dma2 semaphore(%run_scoped3A : memref<!tpu.dma_semaphore, #tpu.memory_space<semaphore_mem>>) src(%dma_wait3A_61 : memref<128x128xf32, #tpu.memory_space<vmem>>) dst(%dma_wait3A_58 : memref<128x128xf32, #tpu.memory_space<vmem_shared>>)
        tpu.yield
      }) : () -> ()
      %scan3A_42 = arith.constant 0 : i32
      scf.yield %scan3A_42 : i32
    }
    %scan3A_13 = arith.constant 5 : i32
    %mul3A_14 = arith.constant 40 : i32
    %mul3A_15 = arith.muli %add3A, %mul3A_14 : i32
    "tpu.region"() ({
      %run_scoped3A = tpu.sem_alloc : memref<!tpu.dma_semaphore, #tpu.memory_space<semaphore_mem>>
      %dma_start3A_35 = arith.constant 0 : i32
      %dma_start3A_36 = arith.constant 0 : i32
      %dma_start3A_37 = tpu.memref_slice %arg3[%mul3A_15, %dma_start3A_35, %dma_start3A_36] : memref<1280x1x128xi32, #tpu.memory_space<hbm>> -> memref<40x1x128xi32, #tpu.memory_space<hbm>>
      %dma_start3A_38 = arith.constant 0 : i32
      %dma_start3A_39 = arith.constant 0 : i32
      %dma_start3A_40 = tpu.memref_slice %arg3[%mul3A_15, %dma_start3A_38, %dma_start3A_39] : memref<1280x1x128xi32, #tpu.memory_space<hbm>> -> memref<40x1x128xi32, #tpu.memory_space<hbm>>
      tpu.enqueue_dma source(%dma_start3A_40 : memref<40x1x128xi32, #tpu.memory_space<hbm>>) target(%arg9 : memref<40x1x128xi32, #tpu.memory_space<vmem>>) target_semaphore(%run_scoped3A : memref<!tpu.dma_semaphore, #tpu.memory_space<semaphore_mem>>)
      %dma_wait3A = arith.constant 0 : i32
      %dma_wait3A_41 = arith.constant 0 : i32
      %dma_wait3A_42 = tpu.memref_slice %arg3[%mul3A_15, %dma_wait3A, %dma_wait3A_41] : memref<1280x1x128xi32, #tpu.memory_space<hbm>> -> memref<40x1x128xi32, #tpu.memory_space<hbm>>
      %dma_wait3A_43 = arith.constant 0 : i32
      %dma_wait3A_44 = arith.constant 0 : i32
      %dma_wait3A_45 = tpu.memref_slice %arg3[%mul3A_15, %dma_wait3A_43, %dma_wait3A_44] : memref<1280x1x128xi32, #tpu.memory_space<hbm>> -> memref<40x1x128xi32, #tpu.memory_space<hbm>>
      tpu.wait_dma2 semaphore(%run_scoped3A : memref<!tpu.dma_semaphore, #tpu.memory_space<semaphore_mem>>) src(%dma_wait3A_45 : memref<40x1x128xi32, #tpu.memory_space<hbm>>) dst(%arg9 : memref<40x1x128xi32, #tpu.memory_space<vmem>>)
      tpu.yield
    }) : () -> ()
    %mul3A_16 = arith.constant 40 : i32
    %mul3A_17 = arith.muli %add3A, %mul3A_16 : i32
    "tpu.region"() ({
      %run_scoped3A = tpu.sem_alloc : memref<!tpu.dma_semaphore, #tpu.memory_space<semaphore_mem>>
      %dma_start3A_35 = arith.constant 0 : i32
      %dma_start3A_36 = arith.constant 0 : i32
      %dma_start3A_37 = tpu.memref_slice %arg4[%mul3A_17, %dma_start3A_35, %dma_start3A_36] : memref<1280x1x128xi32, #tpu.memory_space<hbm>> -> memref<40x1x128xi32, #tpu.memory_space<hbm>>
      %dma_start3A_38 = arith.constant 0 : i32
      %dma_start3A_39 = arith.constant 0 : i32
      %dma_start3A_40 = tpu.memref_slice %arg4[%mul3A_17, %dma_start3A_38, %dma_start3A_39] : memref<1280x1x128xi32, #tpu.memory_space<hbm>> -> memref<40x1x128xi32, #tpu.memory_space<hbm>>
      tpu.enqueue_dma source(%dma_start3A_40 : memref<40x1x128xi32, #tpu.memory_space<hbm>>) target(%arg10 : memref<40x1x128xi32, #tpu.memory_space<vmem>>) target_semaphore(%run_scoped3A : memref<!tpu.dma_semaphore, #tpu.memory_space<semaphore_mem>>)
      %dma_wait3A = arith.constant 0 : i32
      %dma_wait3A_41 = arith.constant 0 : i32
      %dma_wait3A_42 = tpu.memref_slice %arg4[%mul3A_17, %dma_wait3A, %dma_wait3A_41] : memref<1280x1x128xi32, #tpu.memory_space<hbm>> -> memref<40x1x128xi32, #tpu.memory_space<hbm>>
      %dma_wait3A_43 = arith.constant 0 : i32
      %dma_wait3A_44 = arith.constant 0 : i32
      %dma_wait3A_45 = tpu.memref_slice %arg4[%mul3A_17, %dma_wait3A_43, %dma_wait3A_44] : memref<1280x1x128xi32, #tpu.memory_space<hbm>> -> memref<40x1x128xi32, #tpu.memory_space<hbm>>
      tpu.wait_dma2 semaphore(%run_scoped3A : memref<!tpu.dma_semaphore, #tpu.memory_space<semaphore_mem>>) src(%dma_wait3A_45 : memref<40x1x128xi32, #tpu.memory_space<hbm>>) dst(%arg10 : memref<40x1x128xi32, #tpu.memory_space<vmem>>)
      tpu.yield
    }) : () -> ()
    %barrier3A = arith.constant 0 : index
    tpu.barrier barrier_id(%barrier3A)
    %dma_start3A = arith.constant 0 : i32
    %dma_start3A_18 = arith.constant 0 : i32
    %dma_start3A_19 = arith.constant 0 : i32
    %dma_start3A_20 = tpu.memref_slice %arg9[%dma_start3A, %dma_start3A_18, %dma_start3A_19] : memref<40x1x128xi32, #tpu.memory_space<vmem>> -> memref<1x1x128xi32, #tpu.memory_space<vmem>>
    %dma_start3A_21 = tpu.memref_squeeze %dma_start3A_20 : memref<1x1x128xi32, #tpu.memory_space<vmem>> -> memref<128xi32, #tpu.memory_space<vmem>>
    %dma_start3A_22 = arith.constant 0 : i32
    %dma_start3A_23 = arith.constant 0 : i32
    %dma_start3A_24 = tpu.memref_slice %arg2[%dma_start3A_22, %dma_start3A_23] : memref<10000x128xf32, #tpu.memory_space<hbm>> -> memref<10000x128xf32, #tpu.memory_space<hbm>>
    tpu.enqueue_indirect_dma source(%dma_start3A_24 : memref<10000x128xf32, #tpu.memory_space<hbm>>) target(%arg7 : memref<128x128xf32, #tpu.memory_space<vmem>>) offsets(%dma_start3A_21 : memref<128xi32, #tpu.memory_space<vmem>>) semaphore(%arg11 : memref<!tpu.dma_semaphore, #tpu.memory_space<semaphore_mem>>)
    %scan3A_25 = arith.constant 0 : i32
    %scan3A_26 = arith.constant 0 : i32
    %scan3A_27 = arith.constant 20 : i32
    %scan3A_28 = arith.addi %scan3A_26, %scan3A_27 : i32
    %scan3A_29 = arith.constant 1 : i32
    %scan3A_30 = scf.for %scan3A_35 = %scan3A_26 to %scan3A_28 step %scan3A_29 iter_args(%scan3A_36 = %scan3A_25) -> (i32)  : i32 {
      %mul3A_37 = arith.constant 2 : i32
      %mul3A_38 = arith.muli %mul3A_37, %scan3A_35 : i32
      %dma_wait3A = arith.constant 0 : i32
      %dma_wait3A_39 = arith.constant 0 : i32
      %dma_wait3A_40 = tpu.memref_slice %arg9[%mul3A_38, %dma_wait3A, %dma_wait3A_39] : memref<40x1x128xi32, #tpu.memory_space<vmem>> -> memref<1x1x128xi32, #tpu.memory_space<vmem>>
      %dma_wait3A_41 = tpu.memref_squeeze %dma_wait3A_40 : memref<1x1x128xi32, #tpu.memory_space<vmem>> -> memref<128xi32, #tpu.memory_space<vmem>>
      %dma_wait3A_42 = arith.constant 0 : i32
      %dma_wait3A_43 = arith.constant 0 : i32
      %dma_wait3A_44 = tpu.memref_slice %arg2[%dma_wait3A_42, %dma_wait3A_43] : memref<10000x128xf32, #tpu.memory_space<hbm>> -> memref<10000x128xf32, #tpu.memory_space<hbm>>
      tpu.wait_indirect_dma semaphore(%arg11 : memref<!tpu.dma_semaphore, #tpu.memory_space<semaphore_mem>>) src(%dma_wait3A_44 : memref<10000x128xf32, #tpu.memory_space<hbm>>) dst(%arg7 : memref<128x128xf32, #tpu.memory_space<vmem>>)
      %add3A_45 = arith.constant 1 : i32
      %add3A_46 = arith.addi %mul3A_38, %add3A_45 : i32
      %lt3A = arith.constant 40 : i32
      %lt3A_47 = arith.cmpi slt, %add3A_46, %lt3A : i32
      %convert_element_type3A = arith.extui %lt3A_47 : i1 to i32
      %cond3A = arith.constant 0 : i32
      %cond3A_48 = arith.cmpi ne, %convert_element_type3A, %cond3A : i32
      scf.if %cond3A_48 {
        %add3A_57 = arith.constant 1 : i32
        %add3A_58 = arith.addi %mul3A_38, %add3A_57 : i32
        %dma_start3A_59 = arith.constant 0 : i32
        %dma_start3A_60 = arith.constant 0 : i32
        %dma_start3A_61 = tpu.memref_slice %arg9[%add3A_58, %dma_start3A_59, %dma_start3A_60] : memref<40x1x128xi32, #tpu.memory_space<vmem>> -> memref<1x1x128xi32, #tpu.memory_space<vmem>>
        %dma_start3A_62 = tpu.memref_squeeze %dma_start3A_61 : memref<1x1x128xi32, #tpu.memory_space<vmem>> -> memref<128xi32, #tpu.memory_space<vmem>>
        %dma_start3A_63 = arith.constant 0 : i32
        %dma_start3A_64 = arith.constant 0 : i32
        %dma_start3A_65 = tpu.memref_slice %arg2[%dma_start3A_63, %dma_start3A_64] : memref<10000x128xf32, #tpu.memory_space<hbm>> -> memref<10000x128xf32, #tpu.memory_space<hbm>>
        tpu.enqueue_indirect_dma source(%dma_start3A_65 : memref<10000x128xf32, #tpu.memory_space<hbm>>) target(%arg8 : memref<128x128xf32, #tpu.memory_space<vmem>>) offsets(%dma_start3A_62 : memref<128xi32, #tpu.memory_space<vmem>>) semaphore(%arg12 : memref<!tpu.dma_semaphore, #tpu.memory_space<semaphore_mem>>)
      } else {
      }
      %run_scoped3A = arith.constant 0 : i32
      "tpu.region"() ({
        %run_scoped3A_57 = tpu.sem_alloc : memref<!tpu.dma_semaphore, #tpu.memory_space<semaphore_mem>>
        %dma_start3A_58 = arith.constant 0 : i32
        %dma_start3A_59 = tpu.memref_slice %arg10[%mul3A_38, %run_scoped3A, %dma_start3A_58] : memref<40x1x128xi32, #tpu.memory_space<vmem>> -> memref<1x1x128xi32, #tpu.memory_space<vmem>>
        %dma_start3A_60 = tpu.memref_squeeze %dma_start3A_59 : memref<1x1x128xi32, #tpu.memory_space<vmem>> -> memref<128xi32, #tpu.memory_space<vmem>>
        %dma_start3A_61 = arith.constant 0 : i32
        %dma_start3A_62 = arith.constant 0 : i32
        %dma_start3A_63 = tpu.memref_slice %arg6[%dma_start3A_61, %dma_start3A_62] : memref<10240x128xf32, #tpu.memory_space<vmem_shared>> -> memref<10240x128xf32, #tpu.memory_space<vmem_shared>>
        tpu.enqueue_indirect_dma source(%arg7 : memref<128x128xf32, #tpu.memory_space<vmem>>) target(%dma_start3A_63 : memref<10240x128xf32, #tpu.memory_space<vmem_shared>>) offsets(%dma_start3A_60 : memref<128xi32, #tpu.memory_space<vmem>>) semaphore(%run_scoped3A_57 : memref<!tpu.dma_semaphore, #tpu.memory_space<semaphore_mem>>) {add = true}
        %dma_wait3A_64 = arith.constant 0 : i32
        %dma_wait3A_65 = tpu.memref_slice %arg10[%mul3A_38, %run_scoped3A, %dma_wait3A_64] : memref<40x1x128xi32, #tpu.memory_space<vmem>> -> memref<1x1x128xi32, #tpu.memory_space<vmem>>
        %dma_wait3A_66 = tpu.memref_squeeze %dma_wait3A_65 : memref<1x1x128xi32, #tpu.memory_space<vmem>> -> memref<128xi32, #tpu.memory_space<vmem>>
        %dma_wait3A_67 = arith.constant 0 : i32
        %dma_wait3A_68 = arith.constant 0 : i32
        %dma_wait3A_69 = tpu.memref_slice %arg6[%dma_wait3A_67, %dma_wait3A_68] : memref<10240x128xf32, #tpu.memory_space<vmem_shared>> -> memref<10240x128xf32, #tpu.memory_space<vmem_shared>>
        tpu.wait_indirect_dma semaphore(%run_scoped3A_57 : memref<!tpu.dma_semaphore, #tpu.memory_space<semaphore_mem>>) src(%arg7 : memref<128x128xf32, #tpu.memory_space<vmem>>) dst(%dma_wait3A_69 : memref<10240x128xf32, #tpu.memory_space<vmem_shared>>)
        tpu.yield
      }) : () -> ()
      %add3A_49 = arith.constant 1 : i32
      %add3A_50 = arith.addi %mul3A_38, %add3A_49 : i32
      %lt3A_51 = arith.constant 40 : i32
      %lt3A_52 = arith.cmpi slt, %add3A_50, %lt3A_51 : i32
      %convert_element_type3A_53 = arith.extui %lt3A_52 : i1 to i32
      %cond3A_54 = arith.constant 0 : i32
      %cond3A_55 = arith.cmpi ne, %convert_element_type3A_53, %cond3A_54 : i32
      scf.if %cond3A_55 {
        %add3A_57 = arith.constant 1 : i32
        %add3A_58 = arith.addi %mul3A_38, %add3A_57 : i32
        %dma_wait3A_59 = arith.constant 0 : i32
        %dma_wait3A_60 = arith.constant 0 : i32
        %dma_wait3A_61 = tpu.memref_slice %arg9[%add3A_58, %dma_wait3A_59, %dma_wait3A_60] : memref<40x1x128xi32, #tpu.memory_space<vmem>> -> memref<1x1x128xi32, #tpu.memory_space<vmem>>
        %dma_wait3A_62 = tpu.memref_squeeze %dma_wait3A_61 : memref<1x1x128xi32, #tpu.memory_space<vmem>> -> memref<128xi32, #tpu.memory_space<vmem>>
        %dma_wait3A_63 = arith.constant 0 : i32
        %dma_wait3A_64 = arith.constant 0 : i32
        %dma_wait3A_65 = tpu.memref_slice %arg2[%dma_wait3A_63, %dma_wait3A_64] : memref<10000x128xf32, #tpu.memory_space<hbm>> -> memref<10000x128xf32, #tpu.memory_space<hbm>>
        tpu.wait_indirect_dma semaphore(%arg12 : memref<!tpu.dma_semaphore, #tpu.memory_space<semaphore_mem>>) src(%dma_wait3A_65 : memref<10000x128xf32, #tpu.memory_space<hbm>>) dst(%arg8 : memref<128x128xf32, #tpu.memory_space<vmem>>)
        %add3A_66 = arith.constant 2 : i32
        %add3A_67 = arith.addi %mul3A_38, %add3A_66 : i32
        %lt3A_68 = arith.constant 40 : i32
        %lt3A_69 = arith.cmpi slt, %add3A_67, %lt3A_68 : i32
        %convert_element_type3A_70 = arith.extui %lt3A_69 : i1 to i32
        %cond3A_71 = arith.constant 0 : i32
        %cond3A_72 = arith.cmpi ne, %convert_element_type3A_70, %cond3A_71 : i32
        scf.if %cond3A_72 {
          %add3A_76 = arith.constant 2 : i32
          %add3A_77 = arith.addi %mul3A_38, %add3A_76 : i32
          %dma_start3A_78 = arith.constant 0 : i32
          %dma_start3A_79 = arith.constant 0 : i32
          %dma_start3A_80 = tpu.memref_slice %arg9[%add3A_77, %dma_start3A_78, %dma_start3A_79] : memref<40x1x128xi32, #tpu.memory_space<vmem>> -> memref<1x1x128xi32, #tpu.memory_space<vmem>>
          %dma_start3A_81 = tpu.memref_squeeze %dma_start3A_80 : memref<1x1x128xi32, #tpu.memory_space<vmem>> -> memref<128xi32, #tpu.memory_space<vmem>>
          %dma_start3A_82 = arith.constant 0 : i32
          %dma_start3A_83 = arith.constant 0 : i32
          %dma_start3A_84 = tpu.memref_slice %arg2[%dma_start3A_82, %dma_start3A_83] : memref<10000x128xf32, #tpu.memory_space<hbm>> -> memref<10000x128xf32, #tpu.memory_space<hbm>>
          tpu.enqueue_indirect_dma source(%dma_start3A_84 : memref<10000x128xf32, #tpu.memory_space<hbm>>) target(%arg7 : memref<128x128xf32, #tpu.memory_space<vmem>>) offsets(%dma_start3A_81 : memref<128xi32, #tpu.memory_space<vmem>>) semaphore(%arg11 : memref<!tpu.dma_semaphore, #tpu.memory_space<semaphore_mem>>)
        } else {
        }
        %add3A_73 = arith.constant 1 : i32
        %add3A_74 = arith.addi %mul3A_38, %add3A_73 : i32
        %run_scoped3A_75 = arith.constant 0 : i32
        "tpu.region"() ({
          %run_scoped3A_76 = tpu.sem_alloc : memref<!tpu.dma_semaphore, #tpu.memory_space<semaphore_mem>>
          %dma_start3A_77 = arith.constant 0 : i32
          %dma_start3A_78 = tpu.memref_slice %arg10[%add3A_74, %run_scoped3A_75, %dma_start3A_77] : memref<40x1x128xi32, #tpu.memory_space<vmem>> -> memref<1x1x128xi32, #tpu.memory_space<vmem>>
          %dma_start3A_79 = tpu.memref_squeeze %dma_start3A_78 : memref<1x1x128xi32, #tpu.memory_space<vmem>> -> memref<128xi32, #tpu.memory_space<vmem>>
          %dma_start3A_80 = arith.constant 0 : i32
          %dma_start3A_81 = arith.constant 0 : i32
          %dma_start3A_82 = tpu.memref_slice %arg6[%dma_start3A_80, %dma_start3A_81] : memref<10240x128xf32, #tpu.memory_space<vmem_shared>> -> memref<10240x128xf32, #tpu.memory_space<vmem_shared>>
          tpu.enqueue_indirect_dma source(%arg8 : memref<128x128xf32, #tpu.memory_space<vmem>>) target(%dma_start3A_82 : memref<10240x128xf32, #tpu.memory_space<vmem_shared>>) offsets(%dma_start3A_79 : memref<128xi32, #tpu.memory_space<vmem>>) semaphore(%run_scoped3A_76 : memref<!tpu.dma_semaphore, #tpu.memory_space<semaphore_mem>>) {add = true}
          %dma_wait3A_83 = arith.constant 0 : i32
          %dma_wait3A_84 = tpu.memref_slice %arg10[%add3A_74, %run_scoped3A_75, %dma_wait3A_83] : memref<40x1x128xi32, #tpu.memory_space<vmem>> -> memref<1x1x128xi32, #tpu.memory_space<vmem>>
          %dma_wait3A_85 = tpu.memref_squeeze %dma_wait3A_84 : memref<1x1x128xi32, #tpu.memory_space<vmem>> -> memref<128xi32, #tpu.memory_space<vmem>>
          %dma_wait3A_86 = arith.constant 0 : i32
          %dma_wait3A_87 = arith.constant 0 : i32
          %dma_wait3A_88 = tpu.memref_slice %arg6[%dma_wait3A_86, %dma_wait3A_87] : memref<10240x128xf32, #tpu.memory_space<vmem_shared>> -> memref<10240x128xf32, #tpu.memory_space<vmem_shared>>
          tpu.wait_indirect_dma semaphore(%run_scoped3A_76 : memref<!tpu.dma_semaphore, #tpu.memory_space<semaphore_mem>>) src(%arg8 : memref<128x128xf32, #tpu.memory_space<vmem>>) dst(%dma_wait3A_88 : memref<10240x128xf32, #tpu.memory_space<vmem_shared>>)
          tpu.yield
        }) : () -> ()
      } else {
      }
      %scan3A_56 = arith.constant 0 : i32
      scf.yield %scan3A_56 : i32
    }
    %scan3A_31 = arith.constant 20 : i32
    %barrier3A_32 = arith.constant 0 : index
    tpu.barrier barrier_id(%barrier3A_32)
    %mul3A_33 = arith.constant 640 : i32
    %mul3A_34 = arith.muli %arg1, %mul3A_33 : i32
    "tpu.region"() ({
      %run_scoped3A = tpu.sem_alloc : memref<!tpu.dma_semaphore, #tpu.memory_space<semaphore_mem>>
      %dma_start3A_35 = arith.constant 0 : i32
      %dma_start3A_36 = tpu.memref_slice %arg5[%arg0, %mul3A_34, %dma_start3A_35] : memref<2x10240x128xf32, #tpu.memory_space<hbm>> -> memref<1x640x128xf32, #tpu.memory_space<hbm>>
      %dma_start3A_37 = tpu.memref_squeeze %dma_start3A_36 : memref<1x640x128xf32, #tpu.memory_space<hbm>> -> memref<640x128xf32, #tpu.memory_space<hbm>>
      %dma_start3A_38 = arith.constant 0 : i32
      %dma_start3A_39 = tpu.memref_slice %arg6[%mul3A_34, %dma_start3A_38] : memref<10240x128xf32, #tpu.memory_space<vmem_shared>> -> memref<640x128xf32, #tpu.memory_space<vmem_shared>>
      tpu.enqueue_dma source(%dma_start3A_39 : memref<640x128xf32, #tpu.memory_space<vmem_shared>>) target(%dma_start3A_37 : memref<640x128xf32, #tpu.memory_space<hbm>>) target_semaphore(%run_scoped3A : memref<!tpu.dma_semaphore, #tpu.memory_space<semaphore_mem>>)
      %dma_wait3A = arith.constant 0 : i32
      %dma_wait3A_40 = tpu.memref_slice %arg5[%arg0, %mul3A_34, %dma_wait3A] : memref<2x10240x128xf32, #tpu.memory_space<hbm>> -> memref<1x640x128xf32, #tpu.memory_space<hbm>>
      %dma_wait3A_41 = tpu.memref_squeeze %dma_wait3A_40 : memref<1x640x128xf32, #tpu.memory_space<hbm>> -> memref<640x128xf32, #tpu.memory_space<hbm>>
      %dma_wait3A_42 = arith.constant 0 : i32
      %dma_wait3A_43 = tpu.memref_slice %arg6[%mul3A_34, %dma_wait3A_42] : memref<10240x128xf32, #tpu.memory_space<vmem_shared>> -> memref<640x128xf32, #tpu.memory_space<vmem_shared>>
      tpu.wait_dma2 semaphore(%run_scoped3A : memref<!tpu.dma_semaphore, #tpu.memory_space<semaphore_mem>>) src(%dma_wait3A_43 : memref<640x128xf32, #tpu.memory_space<vmem_shared>>) dst(%dma_wait3A_41 : memref<640x128xf32, #tpu.memory_space<hbm>>)
      tpu.yield
    }) : () -> ()
    return
  }
}

module attributes {stable_mosaic.version = 14 : i64} {
  func.func @_mm1_body(%arg0: i32, %arg1: memref<2000x256xf32, #tpu.memory_space<vmem>>, %arg2: memref<256x128xf32, #tpu.memory_space<vmem>>, %arg3: memref<2x2000x128xf32, #tpu.memory_space<vmem>>, %arg4: memref<2000x128xf32, #tpu.memory_space<vmem>>, %arg5: memref<2000x1xf32, #tpu.memory_space<vmem>>) attributes {dimension_semantics = [#tpu.dimension_semantics<parallel>], iteration_bounds = array<i64: 5>, scalar_prefetch = 0 : i64, scratch_operands = 0 : i64, tpu.core_type = #tpu.core_type<tc>, window_params = [{transform_indices = @transform_0, window_bounds = array<i64: 2000, 256>}, {pipeline_mode = #tpu.pipeline_mode<synchronous>, transform_indices = @transform_1, window_bounds = array<i64: 256, 128>}, {transform_indices = @transform_2, window_bounds = array<i64: 2, 2000, 128>}, {transform_indices = @transform_3, window_bounds = array<i64: 2000, 128>}, {transform_indices = @transform_4, window_bounds = array<i64: 2000, 1>}]} {
    %get3A = arith.constant 0 : index
    %get3A_0 = arith.constant 0 : index
    %get3A_1 = arith.constant 0 : index
    %get3A_2 = vector.load %arg3[%get3A, %get3A_0, %get3A_1] : memref<2x2000x128xf32, #tpu.memory_space<vmem>>, vector<1x2000x1xf32>
    %get3A_3 = vector.shape_cast %get3A_2 : vector<1x2000x1xf32> to vector<2000xf32>
    %get3A_4 = arith.constant 1 : index
    %get3A_5 = arith.constant 0 : index
    %get3A_6 = arith.constant 0 : index
    %get3A_7 = vector.load %arg3[%get3A_4, %get3A_5, %get3A_6] : memref<2x2000x128xf32, #tpu.memory_space<vmem>>, vector<1x2000x1xf32>
    %get3A_8 = vector.shape_cast %get3A_7 : vector<1x2000x1xf32> to vector<2000xf32>
    %add3A = arith.addf %get3A_3, %get3A_8 : vector<2000xf32>
    %add3A_9 = arith.constant 1.000000e+00 : f32
    %add3A_10 = vector.broadcast %add3A_9 : f32 to vector<2000xf32>
    %add3A_11 = arith.addf %add3A, %add3A_10 : vector<2000xf32>
    %rsqrt3A = math.rsqrt %add3A_11 : vector<2000xf32>
    %broadcast_in_dim3A = vector.shape_cast %rsqrt3A : vector<2000xf32> to vector<2000x1xf32>
    %get3A_12 = arith.constant 0 : index
    %get3A_13 = arith.constant 0 : index
    %get3A_14 = vector.load %arg1[%get3A_12, %get3A_13] : memref<2000x256xf32, #tpu.memory_space<vmem>>, vector<2000x256xf32>
    %get3A_15 = arith.constant 0 : index
    %get3A_16 = arith.constant 0 : index
    %get3A_17 = vector.load %arg2[%get3A_15, %get3A_16] : memref<256x128xf32, #tpu.memory_space<vmem>>, vector<256x128xf32>
    %dot_general3A = arith.constant dense<0.000000e+00> : vector<2000x128xf32>
    %dot_general3A_18 = tpu.matmul %get3A_14, %get3A_17, %dot_general3A {dimension_numbers = #tpu.dot_dimension_numbers<[1], [0], [0], [1], [0, 0, 1, 1], [], []>, transpose_lhs_hint = false} : vector<2000x256xf32>, vector<256x128xf32>, vector<2000x128xf32> -> vector<2000x128xf32>
    %mul3A = vector.broadcast %broadcast_in_dim3A : vector<2000x1xf32> to vector<2000x128xf32>
    %mul3A_19 = arith.mulf %dot_general3A_18, %mul3A : vector<2000x128xf32>
    %swap3A = arith.constant 0 : index
    %swap3A_20 = arith.constant 0 : index
    %swap3A_21 = vector.load %arg4[%swap3A, %swap3A_20] : memref<2000x128xf32, #tpu.memory_space<vmem>>, vector<2000x128xf32>
    tpu.vector_store %arg4[%swap3A, %swap3A_20], %mul3A_19 {strides = array<i32>} : memref<2000x128xf32, #tpu.memory_space<vmem>>, vector<2000x128xf32>,
    %swap3A_22 = arith.constant 0 : index
    %swap3A_23 = arith.constant 0 : index
    %swap3A_24 = vector.load %arg5[%swap3A_22, %swap3A_23] : memref<2000x1xf32, #tpu.memory_space<vmem>>, vector<2000x1xf32>
    tpu.vector_store %arg5[%swap3A_22, %swap3A_23], %broadcast_in_dim3A {strides = array<i32>} : memref<2000x1xf32, #tpu.memory_space<vmem>>, vector<2000x1xf32>,
    return
  }
  func.func @transform_0(%arg0: i32) -> (i32, i32) {
    %c0_i32 = arith.constant 0 : i32
    %c0_i32_0 = arith.constant 0 : i32
    return %arg0, %c0_i32 : i32, i32
  }
  func.func @transform_1(%arg0: i32) -> (i32, i32) {
    %c0_i32 = arith.constant 0 : i32
    %c0_i32_0 = arith.constant 0 : i32
    %c0_i32_1 = arith.constant 0 : i32
    return %c0_i32, %c0_i32_0 : i32, i32
  }
  func.func @transform_2(%arg0: i32) -> (i32, i32, i32) {
    %c0_i32 = arith.constant 0 : i32
    %c0_i32_0 = arith.constant 0 : i32
    %c0_i32_1 = arith.constant 0 : i32
    return %c0_i32, %arg0, %c0_i32_0 : i32, i32, i32
  }
  func.func @transform_3(%arg0: i32) -> (i32, i32) {
    %c0_i32 = arith.constant 0 : i32
    %c0_i32_0 = arith.constant 0 : i32
    return %arg0, %c0_i32 : i32, i32
  }
  func.func @transform_4(%arg0: i32) -> (i32, i32) {
    %c0_i32 = arith.constant 0 : i32
    %c0_i32_0 = arith.constant 0 : i32
    return %arg0, %c0_i32 : i32, i32
  }
}

module attributes {stable_mosaic.version = 14 : i64} {
  func.func @_fuse_body(%arg0: i32, %arg1: memref<2x2000x128xf32, #tpu.memory_space<vmem>>, %arg2: memref<2000x128xf32, #tpu.memory_space<vmem>>, %arg3: memref<2000x1xf32, #tpu.memory_space<vmem>>, %arg4: memref<128xf32, #tpu.memory_space<vmem>>, %arg5: memref<128xf32, #tpu.memory_space<vmem>>, %arg6: memref<128xf32, #tpu.memory_space<vmem>>, %arg7: memref<128x64xf32, #tpu.memory_space<vmem>>, %arg8: memref<2000x64xf32, #tpu.memory_space<vmem>>) attributes {dimension_semantics = [#tpu.dimension_semantics<parallel>], iteration_bounds = array<i64: 5>, scalar_prefetch = 0 : i64, scratch_operands = 0 : i64, tpu.core_type = #tpu.core_type<tc>, window_params = [{transform_indices = @transform_0, window_bounds = array<i64: 2, 2000, 128>}, {transform_indices = @transform_1, window_bounds = array<i64: 2000, 128>}, {transform_indices = @transform_2, window_bounds = array<i64: 2000, 1>}, {pipeline_mode = #tpu.pipeline_mode<synchronous>, transform_indices = @transform_3, window_bounds = array<i64: 128>}, {pipeline_mode = #tpu.pipeline_mode<synchronous>, transform_indices = @transform_4, window_bounds = array<i64: 128>}, {pipeline_mode = #tpu.pipeline_mode<synchronous>, transform_indices = @transform_5, window_bounds = array<i64: 128>}, {pipeline_mode = #tpu.pipeline_mode<synchronous>, transform_indices = @transform_6, window_bounds = array<i64: 128, 64>}, {transform_indices = @transform_7, window_bounds = array<i64: 2000, 64>}]} {
    %get3A = arith.constant 0 : index
    %get3A_0 = arith.constant 0 : index
    %get3A_1 = vector.load %arg3[%get3A, %get3A_0] : memref<2000x1xf32, #tpu.memory_space<vmem>>, vector<2000x1xf32>
    %get3A_2 = arith.constant 0 : index
    %get3A_3 = arith.constant 0 : index
    %get3A_4 = arith.constant 0 : index
    %get3A_5 = vector.load %arg1[%get3A_2, %get3A_3, %get3A_4] : memref<2x2000x128xf32, #tpu.memory_space<vmem>>, vector<1x2000x128xf32>
    %get3A_6 = vector.shape_cast %get3A_5 : vector<1x2000x128xf32> to vector<2000x128xf32>
    %get3A_7 = arith.constant 1 : index
    %get3A_8 = arith.constant 0 : index
    %get3A_9 = arith.constant 0 : index
    %get3A_10 = vector.load %arg1[%get3A_7, %get3A_8, %get3A_9] : memref<2x2000x128xf32, #tpu.memory_space<vmem>>, vector<1x2000x128xf32>
    %get3A_11 = vector.shape_cast %get3A_10 : vector<1x2000x128xf32> to vector<2000x128xf32>
    %add3A = arith.addf %get3A_6, %get3A_11 : vector<2000x128xf32>
    %get3A_12 = arith.constant 0 : index
    %get3A_13 = arith.constant 0 : index
    %get3A_14 = vector.load %arg2[%get3A_12, %get3A_13] : memref<2000x128xf32, #tpu.memory_space<vmem>>, vector<2000x128xf32>
    %add3A_15 = arith.addf %add3A, %get3A_14 : vector<2000x128xf32>
    %mul3A = vector.broadcast %get3A_1 : vector<2000x1xf32> to vector<2000x128xf32>
    %mul3A_16 = arith.mulf %add3A_15, %mul3A : vector<2000x128xf32>
    %get3A_17 = arith.constant 0 : index
    %get3A_18 = vector.load %arg4[%get3A_17] : memref<128xf32, #tpu.memory_space<vmem>>, vector<128xf32>
    %broadcast_in_dim3A = vector.shape_cast %get3A_18 : vector<128xf32> to vector<1x128xf32>
    %add3A_19 = vector.broadcast %broadcast_in_dim3A : vector<1x128xf32> to vector<2000x128xf32>
    %add3A_20 = arith.addf %mul3A_16, %add3A_19 : vector<2000x128xf32>
    %reduce_sum3A = arith.constant dense<0.000000e+00> : vector<2000xf32>
    %reduce_sum3A_21 = vector.multi_reduction <add>, %add3A_20, %reduce_sum3A [1] : vector<2000x128xf32> to vector<2000xf32>
    %broadcast_in_dim3A_22 = vector.shape_cast %reduce_sum3A_21 : vector<2000xf32> to vector<2000x1xf32>
    %div3A = arith.constant 1.280000e+02 : f32
    %div3A_23 = vector.broadcast %div3A : f32 to vector<2000x1xf32>
    %div3A_24 = arith.divf %broadcast_in_dim3A_22, %div3A_23 : vector<2000x1xf32>
    %sub3A = vector.broadcast %div3A_24 : vector<2000x1xf32> to vector<2000x128xf32>
    %sub3A_25 = arith.subf %add3A_20, %sub3A : vector<2000x128xf32>
    %mul3A_26 = arith.mulf %sub3A_25, %sub3A_25 : vector<2000x128xf32>
    %reduce_sum3A_27 = arith.constant dense<0.000000e+00> : vector<2000xf32>
    %reduce_sum3A_28 = vector.multi_reduction <add>, %mul3A_26, %reduce_sum3A_27 [1] : vector<2000x128xf32> to vector<2000xf32>
    %broadcast_in_dim3A_29 = vector.shape_cast %reduce_sum3A_28 : vector<2000xf32> to vector<2000x1xf32>
    %div3A_30 = arith.constant 1.280000e+02 : f32
    %div3A_31 = vector.broadcast %div3A_30 : f32 to vector<2000x1xf32>
    %div3A_32 = arith.divf %broadcast_in_dim3A_29, %div3A_31 : vector<2000x1xf32>
    %add3A_33 = arith.constant 9.99999974E-6 : f32
    %add3A_34 = vector.broadcast %add3A_33 : f32 to vector<2000x1xf32>
    %add3A_35 = arith.addf %div3A_32, %add3A_34 : vector<2000x1xf32>
    %rsqrt3A = math.rsqrt %add3A_35 : vector<2000x1xf32>
    %mul3A_36 = vector.broadcast %rsqrt3A : vector<2000x1xf32> to vector<2000x128xf32>
    %mul3A_37 = arith.mulf %sub3A_25, %mul3A_36 : vector<2000x128xf32>
    %get3A_38 = arith.constant 0 : index
    %get3A_39 = vector.load %arg5[%get3A_38] : memref<128xf32, #tpu.memory_space<vmem>>, vector<128xf32>
    %broadcast_in_dim3A_40 = vector.shape_cast %get3A_39 : vector<128xf32> to vector<1x128xf32>
    %mul3A_41 = vector.broadcast %broadcast_in_dim3A_40 : vector<1x128xf32> to vector<2000x128xf32>
    %mul3A_42 = arith.mulf %mul3A_37, %mul3A_41 : vector<2000x128xf32>
    %get3A_43 = arith.constant 0 : index
    %get3A_44 = vector.load %arg6[%get3A_43] : memref<128xf32, #tpu.memory_space<vmem>>, vector<128xf32>
    %broadcast_in_dim3A_45 = vector.shape_cast %get3A_44 : vector<128xf32> to vector<1x128xf32>
    %add3A_46 = vector.broadcast %broadcast_in_dim3A_45 : vector<1x128xf32> to vector<2000x128xf32>
    %add3A_47 = arith.addf %mul3A_42, %add3A_46 : vector<2000x128xf32>
    %gt3A = arith.constant 0.000000e+00 : f32
    %gt3A_48 = vector.broadcast %gt3A : f32 to vector<2000x128xf32>
    %gt3A_49 = arith.cmpf ogt, %add3A_47, %gt3A_48 : vector<2000x128xf32>
    %exp3A = math.exp %add3A_47 : vector<2000x128xf32>
    %sub3A_50 = arith.constant 1.000000e+00 : f32
    %sub3A_51 = vector.broadcast %sub3A_50 : f32 to vector<2000x128xf32>
    %sub3A_52 = arith.subf %exp3A, %sub3A_51 : vector<2000x128xf32>
    %select_n3A = arith.select %gt3A_49, %add3A_47, %sub3A_52 : vector<2000x128xi1>, vector<2000x128xf32>
    %get3A_53 = arith.constant 0 : index
    %get3A_54 = arith.constant 0 : index
    %get3A_55 = vector.load %arg7[%get3A_53, %get3A_54] : memref<128x64xf32, #tpu.memory_space<vmem>>, vector<128x64xf32>
    %dot_general3A = arith.constant dense<0.000000e+00> : vector<2000x64xf32>
    %dot_general3A_56 = tpu.matmul %select_n3A, %get3A_55, %dot_general3A {dimension_numbers = #tpu.dot_dimension_numbers<[1], [0], [0], [1], [0, 0, 1, 1], [], []>, transpose_lhs_hint = false} : vector<2000x128xf32>, vector<128x64xf32>, vector<2000x64xf32> -> vector<2000x64xf32>
    %mul3A_57 = vector.broadcast %get3A_1 : vector<2000x1xf32> to vector<2000x64xf32>
    %mul3A_58 = arith.mulf %dot_general3A_56, %mul3A_57 : vector<2000x64xf32>
    %swap3A = arith.constant 0 : index
    %swap3A_59 = arith.constant 0 : index
    %swap3A_60 = vector.load %arg8[%swap3A, %swap3A_59] : memref<2000x64xf32, #tpu.memory_space<vmem>>, vector<2000x64xf32>
    tpu.vector_store %arg8[%swap3A, %swap3A_59], %mul3A_58 {strides = array<i32>} : memref<2000x64xf32, #tpu.memory_space<vmem>>, vector<2000x64xf32>,
    return
  }
  func.func @transform_0(%arg0: i32) -> (i32, i32, i32) {
    %c0_i32 = arith.constant 0 : i32
    %c0_i32_0 = arith.constant 0 : i32
    %c0_i32_1 = arith.constant 0 : i32
    return %c0_i32, %arg0, %c0_i32_0 : i32, i32, i32
  }
  func.func @transform_1(%arg0: i32) -> (i32, i32) {
    %c0_i32 = arith.constant 0 : i32
    %c0_i32_0 = arith.constant 0 : i32
    return %arg0, %c0_i32 : i32, i32
  }
  func.func @transform_2(%arg0: i32) -> (i32, i32) {
    %c0_i32 = arith.constant 0 : i32
    %c0_i32_0 = arith.constant 0 : i32
    return %arg0, %c0_i32 : i32, i32
  }
  func.func @transform_3(%arg0: i32) -> i32 {
    %c0_i32 = arith.constant 0 : i32
    %c0_i32_0 = arith.constant 0 : i32
    return %c0_i32 : i32
  }
  func.func @transform_4(%arg0: i32) -> i32 {
    %c0_i32 = arith.constant 0 : i32
    %c0_i32_0 = arith.constant 0 : i32
    return %c0_i32 : i32
  }
  func.func @transform_5(%arg0: i32) -> i32 {
    %c0_i32 = arith.constant 0 : i32
    %c0_i32_0 = arith.constant 0 : i32
    return %c0_i32 : i32
  }
  func.func @transform_6(%arg0: i32) -> (i32, i32) {
    %c0_i32 = arith.constant 0 : i32
    %c0_i32_0 = arith.constant 0 : i32
    %c0_i32_1 = arith.constant 0 : i32
    return %c0_i32, %c0_i32_0 : i32, i32
  }
  func.func @transform_7(%arg0: i32) -> (i32, i32) {
    %c0_i32 = arith.constant 0 : i32
    %c0_i32_0 = arith.constant 0 : i32
    return %arg0, %c0_i32 : i32, i32
  }
}

module attributes {stable_mosaic.version = 14 : i64} {
  func.func @_fuse_body(%arg0: i32, %arg1: memref<2x2000x128xf32, #tpu.memory_space<vmem>>, %arg2: memref<2000x64xf32, #tpu.memory_space<vmem>>, %arg3: memref<2000x1xf32, #tpu.memory_space<vmem>>, %arg4: memref<64xf32, #tpu.memory_space<vmem>>, %arg5: memref<64xf32, #tpu.memory_space<vmem>>, %arg6: memref<64xf32, #tpu.memory_space<vmem>>, %arg7: memref<64x16xf32, #tpu.memory_space<vmem>>, %arg8: memref<2000x16xf32, #tpu.memory_space<vmem>>) attributes {dimension_semantics = [#tpu.dimension_semantics<parallel>], iteration_bounds = array<i64: 5>, scalar_prefetch = 0 : i64, scratch_operands = 0 : i64, tpu.core_type = #tpu.core_type<tc>, window_params = [{transform_indices = @transform_0, window_bounds = array<i64: 2, 2000, 128>}, {transform_indices = @transform_1, window_bounds = array<i64: 2000, 64>}, {transform_indices = @transform_2, window_bounds = array<i64: 2000, 1>}, {pipeline_mode = #tpu.pipeline_mode<synchronous>, transform_indices = @transform_3, window_bounds = array<i64: 64>}, {pipeline_mode = #tpu.pipeline_mode<synchronous>, transform_indices = @transform_4, window_bounds = array<i64: 64>}, {pipeline_mode = #tpu.pipeline_mode<synchronous>, transform_indices = @transform_5, window_bounds = array<i64: 64>}, {pipeline_mode = #tpu.pipeline_mode<synchronous>, transform_indices = @transform_6, window_bounds = array<i64: 64, 16>}, {transform_indices = @transform_7, window_bounds = array<i64: 2000, 16>}]} {
    %get3A = arith.constant 0 : index
    %get3A_0 = arith.constant 0 : index
    %get3A_1 = vector.load %arg3[%get3A, %get3A_0] : memref<2000x1xf32, #tpu.memory_space<vmem>>, vector<2000x1xf32>
    %get3A_2 = arith.constant 0 : index
    %get3A_3 = arith.constant 0 : index
    %get3A_4 = arith.constant 0 : index
    %get3A_5 = vector.load %arg1[%get3A_2, %get3A_3, %get3A_4] : memref<2x2000x128xf32, #tpu.memory_space<vmem>>, vector<1x2000x64xf32>
    %get3A_6 = vector.shape_cast %get3A_5 : vector<1x2000x64xf32> to vector<2000x64xf32>
    %get3A_7 = arith.constant 1 : index
    %get3A_8 = arith.constant 0 : index
    %get3A_9 = arith.constant 0 : index
    %get3A_10 = vector.load %arg1[%get3A_7, %get3A_8, %get3A_9] : memref<2x2000x128xf32, #tpu.memory_space<vmem>>, vector<1x2000x64xf32>
    %get3A_11 = vector.shape_cast %get3A_10 : vector<1x2000x64xf32> to vector<2000x64xf32>
    %add3A = arith.addf %get3A_6, %get3A_11 : vector<2000x64xf32>
    %get3A_12 = arith.constant 0 : index
    %get3A_13 = arith.constant 0 : index
    %get3A_14 = vector.load %arg2[%get3A_12, %get3A_13] : memref<2000x64xf32, #tpu.memory_space<vmem>>, vector<2000x64xf32>
    %add3A_15 = arith.addf %add3A, %get3A_14 : vector<2000x64xf32>
    %mul3A = vector.broadcast %get3A_1 : vector<2000x1xf32> to vector<2000x64xf32>
    %mul3A_16 = arith.mulf %add3A_15, %mul3A : vector<2000x64xf32>
    %get3A_17 = arith.constant 0 : index
    %get3A_18 = vector.load %arg4[%get3A_17] : memref<64xf32, #tpu.memory_space<vmem>>, vector<64xf32>
    %broadcast_in_dim3A = vector.shape_cast %get3A_18 : vector<64xf32> to vector<1x64xf32>
    %add3A_19 = vector.broadcast %broadcast_in_dim3A : vector<1x64xf32> to vector<2000x64xf32>
    %add3A_20 = arith.addf %mul3A_16, %add3A_19 : vector<2000x64xf32>
    %reduce_sum3A = arith.constant dense<0.000000e+00> : vector<2000xf32>
    %reduce_sum3A_21 = vector.multi_reduction <add>, %add3A_20, %reduce_sum3A [1] : vector<2000x64xf32> to vector<2000xf32>
    %broadcast_in_dim3A_22 = vector.shape_cast %reduce_sum3A_21 : vector<2000xf32> to vector<2000x1xf32>
    %div3A = arith.constant 6.400000e+01 : f32
    %div3A_23 = vector.broadcast %div3A : f32 to vector<2000x1xf32>
    %div3A_24 = arith.divf %broadcast_in_dim3A_22, %div3A_23 : vector<2000x1xf32>
    %sub3A = vector.broadcast %div3A_24 : vector<2000x1xf32> to vector<2000x64xf32>
    %sub3A_25 = arith.subf %add3A_20, %sub3A : vector<2000x64xf32>
    %mul3A_26 = arith.mulf %sub3A_25, %sub3A_25 : vector<2000x64xf32>
    %reduce_sum3A_27 = arith.constant dense<0.000000e+00> : vector<2000xf32>
    %reduce_sum3A_28 = vector.multi_reduction <add>, %mul3A_26, %reduce_sum3A_27 [1] : vector<2000x64xf32> to vector<2000xf32>
    %broadcast_in_dim3A_29 = vector.shape_cast %reduce_sum3A_28 : vector<2000xf32> to vector<2000x1xf32>
    %div3A_30 = arith.constant 6.400000e+01 : f32
    %div3A_31 = vector.broadcast %div3A_30 : f32 to vector<2000x1xf32>
    %div3A_32 = arith.divf %broadcast_in_dim3A_29, %div3A_31 : vector<2000x1xf32>
    %add3A_33 = arith.constant 9.99999974E-6 : f32
    %add3A_34 = vector.broadcast %add3A_33 : f32 to vector<2000x1xf32>
    %add3A_35 = arith.addf %div3A_32, %add3A_34 : vector<2000x1xf32>
    %rsqrt3A = math.rsqrt %add3A_35 : vector<2000x1xf32>
    %mul3A_36 = vector.broadcast %rsqrt3A : vector<2000x1xf32> to vector<2000x64xf32>
    %mul3A_37 = arith.mulf %sub3A_25, %mul3A_36 : vector<2000x64xf32>
    %get3A_38 = arith.constant 0 : index
    %get3A_39 = vector.load %arg5[%get3A_38] : memref<64xf32, #tpu.memory_space<vmem>>, vector<64xf32>
    %broadcast_in_dim3A_40 = vector.shape_cast %get3A_39 : vector<64xf32> to vector<1x64xf32>
    %mul3A_41 = vector.broadcast %broadcast_in_dim3A_40 : vector<1x64xf32> to vector<2000x64xf32>
    %mul3A_42 = arith.mulf %mul3A_37, %mul3A_41 : vector<2000x64xf32>
    %get3A_43 = arith.constant 0 : index
    %get3A_44 = vector.load %arg6[%get3A_43] : memref<64xf32, #tpu.memory_space<vmem>>, vector<64xf32>
    %broadcast_in_dim3A_45 = vector.shape_cast %get3A_44 : vector<64xf32> to vector<1x64xf32>
    %add3A_46 = vector.broadcast %broadcast_in_dim3A_45 : vector<1x64xf32> to vector<2000x64xf32>
    %add3A_47 = arith.addf %mul3A_42, %add3A_46 : vector<2000x64xf32>
    %gt3A = arith.constant 0.000000e+00 : f32
    %gt3A_48 = vector.broadcast %gt3A : f32 to vector<2000x64xf32>
    %gt3A_49 = arith.cmpf ogt, %add3A_47, %gt3A_48 : vector<2000x64xf32>
    %exp3A = math.exp %add3A_47 : vector<2000x64xf32>
    %sub3A_50 = arith.constant 1.000000e+00 : f32
    %sub3A_51 = vector.broadcast %sub3A_50 : f32 to vector<2000x64xf32>
    %sub3A_52 = arith.subf %exp3A, %sub3A_51 : vector<2000x64xf32>
    %select_n3A = arith.select %gt3A_49, %add3A_47, %sub3A_52 : vector<2000x64xi1>, vector<2000x64xf32>
    %get3A_53 = arith.constant 0 : index
    %get3A_54 = arith.constant 0 : index
    %get3A_55 = vector.load %arg7[%get3A_53, %get3A_54] : memref<64x16xf32, #tpu.memory_space<vmem>>, vector<64x16xf32>
    %dot_general3A = arith.constant dense<0.000000e+00> : vector<2000x16xf32>
    %dot_general3A_56 = tpu.matmul %select_n3A, %get3A_55, %dot_general3A {dimension_numbers = #tpu.dot_dimension_numbers<[1], [0], [0], [1], [0, 0, 1, 1], [], []>, transpose_lhs_hint = false} : vector<2000x64xf32>, vector<64x16xf32>, vector<2000x16xf32> -> vector<2000x16xf32>
    %mul3A_57 = vector.broadcast %get3A_1 : vector<2000x1xf32> to vector<2000x16xf32>
    %mul3A_58 = arith.mulf %dot_general3A_56, %mul3A_57 : vector<2000x16xf32>
    %swap3A = arith.constant 0 : index
    %swap3A_59 = arith.constant 0 : index
    %swap3A_60 = vector.load %arg8[%swap3A, %swap3A_59] : memref<2000x16xf32, #tpu.memory_space<vmem>>, vector<2000x16xf32>
    tpu.vector_store %arg8[%swap3A, %swap3A_59], %mul3A_58 {strides = array<i32>} : memref<2000x16xf32, #tpu.memory_space<vmem>>, vector<2000x16xf32>,
    return
  }
  func.func @transform_0(%arg0: i32) -> (i32, i32, i32) {
    %c0_i32 = arith.constant 0 : i32
    %c0_i32_0 = arith.constant 0 : i32
    %c0_i32_1 = arith.constant 0 : i32
    return %c0_i32, %arg0, %c0_i32_0 : i32, i32, i32
  }
  func.func @transform_1(%arg0: i32) -> (i32, i32) {
    %c0_i32 = arith.constant 0 : i32
    %c0_i32_0 = arith.constant 0 : i32
    return %arg0, %c0_i32 : i32, i32
  }
  func.func @transform_2(%arg0: i32) -> (i32, i32) {
    %c0_i32 = arith.constant 0 : i32
    %c0_i32_0 = arith.constant 0 : i32
    return %arg0, %c0_i32 : i32, i32
  }
  func.func @transform_3(%arg0: i32) -> i32 {
    %c0_i32 = arith.constant 0 : i32
    %c0_i32_0 = arith.constant 0 : i32
    return %c0_i32 : i32
  }
  func.func @transform_4(%arg0: i32) -> i32 {
    %c0_i32 = arith.constant 0 : i32
    %c0_i32_0 = arith.constant 0 : i32
    return %c0_i32 : i32
  }
  func.func @transform_5(%arg0: i32) -> i32 {
    %c0_i32 = arith.constant 0 : i32
    %c0_i32_0 = arith.constant 0 : i32
    return %c0_i32 : i32
  }
  func.func @transform_6(%arg0: i32) -> (i32, i32) {
    %c0_i32 = arith.constant 0 : i32
    %c0_i32_0 = arith.constant 0 : i32
    %c0_i32_1 = arith.constant 0 : i32
    return %c0_i32, %c0_i32_0 : i32, i32
  }
  func.func @transform_7(%arg0: i32) -> (i32, i32) {
    %c0_i32 = arith.constant 0 : i32
    %c0_i32_0 = arith.constant 0 : i32
    return %arg0, %c0_i32 : i32, i32
  }
}

module attributes {stable_mosaic.version = 14 : i64} {
  func.func @_fin_body(%arg0: i32, %arg1: memref<2x2000x128xf32, #tpu.memory_space<vmem>>, %arg2: memref<2000x16xf32, #tpu.memory_space<vmem>>, %arg3: memref<2000x1xf32, #tpu.memory_space<vmem>>, %arg4: memref<16xf32, #tpu.memory_space<vmem>>, %arg5: memref<2000x2xf32, #tpu.memory_space<vmem>>) attributes {dimension_semantics = [#tpu.dimension_semantics<parallel>], iteration_bounds = array<i64: 5>, scalar_prefetch = 0 : i64, scratch_operands = 0 : i64, tpu.core_type = #tpu.core_type<tc>, window_params = [{transform_indices = @transform_0, window_bounds = array<i64: 2, 2000, 128>}, {transform_indices = @transform_1, window_bounds = array<i64: 2000, 16>}, {transform_indices = @transform_2, window_bounds = array<i64: 2000, 1>}, {pipeline_mode = #tpu.pipeline_mode<synchronous>, transform_indices = @transform_3, window_bounds = array<i64: 16>}, {transform_indices = @transform_4, window_bounds = array<i64: 2000, 2>}]} {
    %get3A = arith.constant 0 : index
    %get3A_0 = arith.constant 0 : index
    %get3A_1 = arith.constant 0 : index
    %get3A_2 = vector.load %arg1[%get3A, %get3A_0, %get3A_1] : memref<2x2000x128xf32, #tpu.memory_space<vmem>>, vector<1x2000x2xf32>
    %get3A_3 = vector.shape_cast %get3A_2 : vector<1x2000x2xf32> to vector<2000x2xf32>
    %get3A_4 = arith.constant 1 : index
    %get3A_5 = arith.constant 0 : index
    %get3A_6 = arith.constant 0 : index
    %get3A_7 = vector.load %arg1[%get3A_4, %get3A_5, %get3A_6] : memref<2x2000x128xf32, #tpu.memory_space<vmem>>, vector<1x2000x2xf32>
    %get3A_8 = vector.shape_cast %get3A_7 : vector<1x2000x2xf32> to vector<2000x2xf32>
    %add3A = arith.addf %get3A_3, %get3A_8 : vector<2000x2xf32>
    %get3A_9 = arith.constant 0 : index
    %get3A_10 = arith.constant 0 : index
    %get3A_11 = vector.load %arg2[%get3A_9, %get3A_10] : memref<2000x16xf32, #tpu.memory_space<vmem>>, vector<2000x2xf32>
    %add3A_12 = arith.addf %add3A, %get3A_11 : vector<2000x2xf32>
    %get3A_13 = arith.constant 0 : index
    %get3A_14 = arith.constant 0 : index
    %get3A_15 = vector.load %arg3[%get3A_13, %get3A_14] : memref<2000x1xf32, #tpu.memory_space<vmem>>, vector<2000x1xf32>
    %mul3A = vector.broadcast %get3A_15 : vector<2000x1xf32> to vector<2000x2xf32>
    %mul3A_16 = arith.mulf %add3A_12, %mul3A : vector<2000x2xf32>
    %get3A_17 = arith.constant 0 : index
    %get3A_18 = vector.load %arg4[%get3A_17] : memref<16xf32, #tpu.memory_space<vmem>>, vector<16xf32>
    %slice3A = vector.extract_strided_slice %get3A_18 {offsets = [0], sizes = [2], strides = [1]} : vector<16xf32> to vector<2xf32>
    %broadcast_in_dim3A = vector.shape_cast %slice3A : vector<2xf32> to vector<1x2xf32>
    %add3A_19 = vector.broadcast %broadcast_in_dim3A : vector<1x2xf32> to vector<2000x2xf32>
    %add3A_20 = arith.addf %mul3A_16, %add3A_19 : vector<2000x2xf32>
    %reduce_max3A = arith.constant dense<0xFF800000> : vector<2000xf32>
    %reduce_max3A_21 = vector.multi_reduction <maximumf>, %add3A_20, %reduce_max3A [1] : vector<2000x2xf32> to vector<2000xf32>
    %broadcast_in_dim3A_22 = vector.shape_cast %reduce_max3A_21 : vector<2000xf32> to vector<2000x1xf32>
    %sub3A = vector.broadcast %broadcast_in_dim3A_22 : vector<2000x1xf32> to vector<2000x2xf32>
    %sub3A_23 = arith.subf %add3A_20, %sub3A : vector<2000x2xf32>
    %exp3A = math.exp %sub3A_23 : vector<2000x2xf32>
    %sub3A_24 = vector.broadcast %broadcast_in_dim3A_22 : vector<2000x1xf32> to vector<2000x2xf32>
    %sub3A_25 = arith.subf %add3A_20, %sub3A_24 : vector<2000x2xf32>
    %reduce_sum3A = arith.constant dense<0.000000e+00> : vector<2000xf32>
    %reduce_sum3A_26 = vector.multi_reduction <add>, %exp3A, %reduce_sum3A [1] : vector<2000x2xf32> to vector<2000xf32>
    %broadcast_in_dim3A_27 = vector.shape_cast %reduce_sum3A_26 : vector<2000xf32> to vector<2000x1xf32>
    %log3A = math.log %broadcast_in_dim3A_27 : vector<2000x1xf32>
    %sub3A_28 = vector.broadcast %log3A : vector<2000x1xf32> to vector<2000x2xf32>
    %sub3A_29 = arith.subf %sub3A_25, %sub3A_28 : vector<2000x2xf32>
    %swap3A = arith.constant 0 : index
    %swap3A_30 = arith.constant 0 : index
    %swap3A_31 = vector.load %arg5[%swap3A, %swap3A_30] : memref<2000x2xf32, #tpu.memory_space<vmem>>, vector<2000x2xf32>
    tpu.vector_store %arg5[%swap3A, %swap3A_30], %sub3A_29 {strides = array<i32>} : memref<2000x2xf32, #tpu.memory_space<vmem>>, vector<2000x2xf32>,
    return
  }
  func.func @transform_0(%arg0: i32) -> (i32, i32, i32) {
    %c0_i32 = arith.constant 0 : i32
    %c0_i32_0 = arith.constant 0 : i32
    %c0_i32_1 = arith.constant 0 : i32
    return %c0_i32, %arg0, %c0_i32_0 : i32, i32, i32
  }
  func.func @transform_1(%arg0: i32) -> (i32, i32) {
    %c0_i32 = arith.constant 0 : i32
    %c0_i32_0 = arith.constant 0 : i32
    return %arg0, %c0_i32 : i32, i32
  }
  func.func @transform_2(%arg0: i32) -> (i32, i32) {
    %c0_i32 = arith.constant 0 : i32
    %c0_i32_0 = arith.constant 0 : i32
    return %arg0, %c0_i32 : i32, i32
  }
  func.func @transform_3(%arg0: i32) -> i32 {
    %c0_i32 = arith.constant 0 : i32
    %c0_i32_0 = arith.constant 0 : i32
    return %c0_i32 : i32
  }
  func.func @transform_4(%arg0: i32) -> (i32, i32) {
    %c0_i32 = arith.constant 0 : i32
    %c0_i32_0 = arith.constant 0 : i32
    return %arg0, %c0_i32 : i32, i32
  }
}

</mosaic_0001>

<sc_bundles>
// kernel: kernel.10.cloned.1.call-start
scs
__scs_entry_jumppad:
0x0: {  	(pc) =	sbr.rel $0x88, $3  }
0x1: {  	(tag) =	ssettag $0x0;
	lr =	simm.s32 $0x1  }
0x2: {  	[smem:$0x3F95] =	sst lr;
	_ =	strace $0xD0000000  }
0x3: {  	_ = 	snop  }
0x4: {  	_ = 	snop  }
0x5: {  	_ = 	snop  }
0x6: {  	_ = 	snop  }
0x7: {  	_ = 	snop  }
__scs_overlays_trampoline_lowered:
0x8: {  	[smem:$0x3FA4] =	sst s0  }
0x9: {  	[smem:$0x3FA5] =	sst s1  }
0xa: {  	[smem:$0x3FA6] =	sst s2  }
0xb: {  	[smem:$0x3FA7] =	sst s3  }
0xc: {  	[smem:$0x3FA8] =	sst s4  }
0xd: {  	[smem:$0x3FA9] =	sst s5  }
0xe: {  	[smem:$0x3FAA] =	sst s6  }
0xf: {  	[smem:$0x3FAB] =	sst s7  }
0x10: {  	[smem:$0x3FAC] =	sst s8  }
0x11: {  	[smem:$0x3FAD] =	sst s9;
	s0 =	simm.s32 @!p0 $0x0  }
0x12: {  	s1 =	sld [smem:$0x3F93];
	s0 =	simm.s32 @p0 $0x1  }
0x13: {  	[smem:$0x3FAE] =	sst s0;
	s0 =	simm.s32 @!p1 $0x0  }
0x14: {  	s2 =	sld [smem:$0x3F92];
	s0 =	simm.s32 @p1 $0x1  }
0x15: {  	[smem:$0x3FAF] =	sst s0;
	s0 =	simm.s32 @!p2 $0x0  }
0x16: {  	s3 =	sld [smem:$0x3FDB];
	s0 =	simm.s32 @p2 $0x1  }
0x17: {  	s4 =	simm.s32 $0x1BF5;
	[smem:$0x3FB1] =	sst s0  }
0x18: {  	s0 =	sld [smem:$0x3F94];
	_ =	swait.ge [sflag:s4], $0x0  }
0x19: {  	s7 =	sld [smem:$0x3F95]  }
0x1a: {  	s8 =	sadd.s32 $0xFFFFE003, lr  }
0x1b: {  	s9 =	sadd.s32 $0xFFFFFEF7, lr;
	s5 =	simm.s32 $0xFFFFFFFF;
	p2 =	slt.u32 s8, $0xFFFFF086  }
0x1c: {  	p1 =	slt.u32 s9, $0xF7A;
	s5 =	simm.s32 @!p2 $0x0  }
0x1d: {  	s5 =	simm.s32 @p1 $0x1;
	p0 =	seq.s32 s7, s2  }
0x1e: {  	s7 =	smul.u32 @!p0 $0xF7A, s2;
	p2 =	seq.s32 @!p0 s5, $0x0  }
0x1f: {  	s9 =	smul.u32 $0xF7A, s1;
	s8 =	simm.s32 @!p0 $0x1BF5;
	p2 =	por !p2, p0  }
0x20: {  	[sflag:s8] =	ssyncset.s32 @!p0 $0xFFFFF086;
	s6 =	sadd.s32 @!p0 s3, s7;
	s7 =	simm.s32 @!p0 $0x108  }
0x21: {  	s3 =	sadd.s32 s3, s9;
	s6 =	sadd.s32 @!p0 $0x88, s6;
	s7 =	simm.s32 @p2 $0x1082  }
0x22: {  	[simem:s7], [sflag:s8] =	dma.local @!p0 [hbm:s6], $0xF7A  }
0x23: {  	s9 =	sor.u32 $0xD0000000, s2;
	s6 =	simm.s32 $0x108;
	_ =	swait.ge @!p0 [sflag:s8], $0x0  }
0x24: {  	s3 =	sadd.s32 $0x88, s3;
	s6 =	simm.s32 @!p1 $0x1082;
	[sflag:s4] =	ssyncset.s32 $0xFFFFF086  }
0x25: {  	[simem:s6], [sflag:s4] =	dma.local [hbm:s3], $0xF7A  }
0x26: {  	[smem:$0x3F95] =	sst s1;
	(tag) =	ssettag s2;
	_ =	strace s9  }
0x27: {  	s1 =	sld [smem:$0x3FA5]  }
0x28: {  	s2 =	sld [smem:$0x3FA6]  }
0x29: {  	s4 =	sld [smem:$0x3FA8]  }
0x2a: {  	p0 =	seq.s32 s5, $0x0;
	s5 =	sld [smem:$0x3FA9]  }
0x2b: {  	s6 =	sld [smem:$0x3FAA]  }
0x2c: {  	s7 =	sld [smem:$0x3FAB]  }
0x2d: {  	s3 =	simm.s32 $0x108;
	s8 =	sld [smem:$0x3FAC]  }
0x2e: {  	s3 =	simm.s32 @!p0 $0x1082;
	s9 =	sld [smem:$0x3FAD]  }
0x2f: {  	lr =	sadd.s32 s0, s3;
	s0 =	sld [smem:$0x3FA4]  }
0x30: {  	s3 =	sld [smem:$0x3FA7]  }
0x31: {  	[smem:$0x3FB0] =	sst s10  }
0x32: {  	s10 =	sld [smem:$0x3FAE];
	_ =	sdelay $0x3  }
0x33: {  	p0 =	seq.s32 s10, $0x1;
	s10 =	sld [smem:$0x3FB0];
	_ =	sdelay $0x3  }
0x34: {  	[smem:$0x3FB0] =	sst s10  }
0x35: {  	s10 =	sld [smem:$0x3FAF];
	_ =	sdelay $0x3  }
0x36: {  	p1 =	seq.s32 s10, $0x1;
	s10 =	sld [smem:$0x3FB0];
	_ =	sdelay $0x3  }
0x37: {  	[smem:$0x3FB0] =	sst s10  }
0x38: {  	s10 =	sld [smem:$0x3FB1]  }
0x39: {  	_ = 	snop;
	(pc) =	sbr.ind lr, $3  }
0x3a: {  	_ = 	snop  }
0x3b: {  	_ = 	snop  }
0x3c: {  	p2 =	seq.s32 s10, $0x1;
	s10 =	sld [smem:$0x3FB0]  }
0x3d: {  	_ =	shalt  }
0x3e: {  	_ =	shalt  }
0x3f: {  	_ =	shalt  }
0x40: {  	_ =	shalt  }
0x41: {  	_ =	shalt  }
0x42: {  	_ =	shalt  }
0x43: {  	_ =	shalt  }
0x44: {  	_ =	shalt  }
0x45: {  	_ =	shalt  }
0x46: {  	_ =	shalt  }
0x47: {  	_ =	shalt  }
0x48: {  	_ =	shalt  }
0x49: {  	_ =	shalt  }
0x4a: {  	_ =	shalt  }
0x4b: {  	_ =	shalt  }
0x4c: {  	_ =	shalt  }
0x4d: {  	_ =	shalt  }
0x4e: {  	_ =	shalt  }
0x4f: {  	_ =	shalt  }
0x50: {  	_ =	shalt  }
0x51: {  	_ =	shalt  }
0x52: {  	_ =	shalt  }
0x53: {  	_ =	shalt  }
0x54: {  	_ =	shalt  }
0x55: {  	_ =	shalt  }
0x56: {  	_ =	shalt  }
0x57: {  	_ =	shalt  }
0x58: {  	_ =	shalt  }
0x59: {  	_ =	shalt  }
0x5a: {  	_ =	shalt  }
0x5b: {  	_ =	shalt  }
0x5c: {  	_ =	shalt  }
0x5d: {  	_ =	shalt  }
0x5e: {  	_ =	shalt  }
0x5f: {  	_ =	shalt  }
0x60: {  	_ =	shalt  }
0x61: {  	_ =	shalt  }
0x62: {  	_ =	shalt  }
0x63: {  	_ =	shalt  }
0x64: {  	_ =	shalt  }
0x65: {  	_ =	shalt  }
0x66: {  	_ =	shalt  }
0x67: {  	_ =	shalt  }
0x68: {  	_ =	shalt  }
0x69: {  	_ =	shalt  }
0x6a: {  	_ =	shalt  }
0x6b: {  	_ =	shalt  }
0x6c: {  	_ =	shalt  }
0x6d: {  	_ =	shalt  }
0x6e: {  	_ =	shalt  }
0x6f: {  	_ =	shalt  }
0x70: {  	_ =	shalt  }
0x71: {  	_ =	shalt  }
0x72: {  	_ =	shalt  }
0x73: {  	_ =	shalt  }
0x74: {  	_ =	shalt  }
0x75: {  	_ =	shalt  }
0x76: {  	_ =	shalt  }
0x77: {  	_ =	shalt  }
0x78: {  	_ =	shalt  }
0x79: {  	_ =	shalt  }
0x7a: {  	_ =	shalt  }
0x7b: {  	_ =	shalt  }
0x7c: {  	_ =	shalt  }
0x7d: {  	_ =	shalt  }
0x7e: {  	_ =	shalt  }
0x7f: {  	_ =	shalt  }
0x80: {  	_ =	shalt  }
0x81: {  	_ =	shalt  }
0x82: {  	_ =	shalt  }
0x83: {  	_ =	shalt  }
0x84: {  	_ =	shalt  }
0x85: {  	_ =	shalt  }
0x86: {  	_ =	shalt  }
0x87: {  	_ =	shalt  }
.Lfunc_end0:
.L_simem_size_0:
called_computation_lowered:
.L_overlay_start_0:
0x88: {  	s2 =	sld [smem:$0x3FD9]  }
0x89: {  	s3 =	sld [smem:$0x3FFE];
	_ =	sdelay $0x1  }
0x8a: {  	s1 =	srdreg.scid  }
0x8b: {  	s0 =	sand.u32 $0x1, s1  }
0x8c: {  	s16 =	sshll.u32 s0, $0xA;
	s2 =	sadd.s32 s3, s2  }
0x8d: {  	s2 =	sadd.s32 s2, s16  }
0x8e: {  	[smem:$0x3FBC] =	sst s2  }
0x8f: {  	_ = 	snop  }
0x90: {  	(tm) =	ssettm $0x1  }
0x91: {  	s17 =	sld [smem:$0x3FFB];
	_ =	sdelay $0x3  }
0x92: {  	_ =	strace s17  }
0x93: {  	s2 =	sld [smem:$0x3FFC];
	_ =	sdelay $0x3  }
0x94: {  	_ =	strace s2  }
0x95: {  	s2 =	sld [smem:$0x3FFD];
	_ =	sdelay $0x3  }
0x96: {  	_ =	strace s2  }
0x97: {  	_ =	strace $0x8FFFFFFF  }
0x98: {  	s18 =	sld [smem:$0x3FDB];
	_ =	sdelay $0x1  }
0x99: {  	s19 =	simm.s32 $_scs_section_size  }
0x9a: {  	s4 =	simm.s32 $_size__tile_overlayer_lowered;
	s5 =	simm.s32 $_tile_overlayer_lowered  }
0x9b: {  	s22 =	simm.s32 $0x1BFF;
	s21 =	sshll.u32 s5, $0x1;
	s2 =	sadd.s32 s19, s18  }
0x9c: {  	s6 =	simm.s32 $0x0;
	s20 =	sshll.u32 s4, $0x1;
	s4 =	sadd.s32 s21, s2  }
0x9d: {  	[timem:s6], [sflag:s22] =	dma.local [hbm:s4], s20  }
0x9e: {  	_ =	swait.ge [sflag:s22], s20  }
0x9f: {  	s3 =	ssub.s32 $0x0, s20;
	[sflag:s22] =	ssyncset.done $0x0  }
0xa0: {  	[sflag:s22] =	ssyncadd.s32 s3;
	_ =	sdelay $0x1  }
0xa1: {  	s23 =	simm.s32 $0x1B8B  }
0xa2: {  	_ =	swait.ge [sflag:s23], $0x1  }
0xa3: {  	[sflag:s23] =	ssyncset.done $0x0  }
0xa4: {  	s25 =	simm.s32 $0x1B8E;
	s24 =	sld [smem:$0x3FFE];
	[sflag:s23] =	ssyncadd.s32 $0xFFFFFFFF  }
0xa5: {  	s26 =	simm.s32 $execute0_lowered;
	[smem:$0x3FD2] =	sst s25  }
0xa6: {  	s4 =	sshll.u32 s26, $0x1;
	_ =	strace $0x80000046;
	[dreg:$0x1] =	wrdreg $0xFFFFFFFF  }
0xa7: {  	s28 =	simm.s32 $_size_execute0_lowered;
	s2 =	sadd.s32 s2, s4;
	[dreg:$0x0] =	wrdreg $0x0  }
0xa8: {  	s4 =	sshll.u32 s28, $0x1;
	[dreg:$0x2] =	wrdreg s2  }
0xa9: {  	[dreg:$0x3] =	wrdreg s4  }
0xaa: {  	[dreg:$0x4] =	wrdreg $0xC0  }
0xab: {  	_ =	task [dreg:s6], $0x5FFFF  }
0xac: {  	[dreg:$0x1] =	wrdreg $0xFFFFFFFF  }
0xad: {  	[dreg:$0x0] =	wrdreg $0x60  }
0xae: {  	[dreg:$0x2] =	wrdreg s24  }
0xaf: {  	[dreg:$0x3] =	wrdreg $0x0  }
0xb0: {  	[dreg:$0x4] =	wrdreg $0x9  }
0xb1: {  	_ =	task.clear_ibuf [dreg:s6], $0x5FFFF;
	_ =	strace $0x90000046  }
0xb2: {  	s29 =	simm.s32 $0x9;
	_ =	strace $0x80000048  }
0xb3: {  	_ =	swait.ge [sflag:s29], $0x1  }
0xb4: {  	[sflag:s29] =	ssyncadd.s32 $0xFFFFFFFF  }
0xb5: {  	_ =	strace $0x90000048  }
0xb6: {  	_ =	sfence  }
0xb7: {  	s30 =	sld [smem:$0x0];
	_ =	sdelay $0x2  }
0xb8: {  	s31 =	sshll.u32 s1, $0xD;
	s1 =	sshrl.u32 s1, $0x2  }
0xb9: {  	s3 =	sand.u32 $0x4000, s31;
	s1 =	sadd.s32 s1, s30  }
0xba: {  	s0 =	sor.u32 s3, s0;
	s1 =	sshll.u32 s1, $0x11  }
0xbb: {  	s0 =	sor.u32 s1, s0  }
0xbc: {  	s0 =	sadd.s32 $0x8F2B, s0  }
0xbd: {  	[sflag:s0] =	ssyncadd.remote.s32 $0x1  }
0xbe: {  	_ =	sfence.sel $0xFFFF  }
0xbf: {  	[dreg:$0x0] =	wrdreg $0xFFFFFFFF;
	(pc) =	sbr.abs _section_cstart, $3  }
0xc0: {  	[dreg:$0x1] =	wrdreg $0xFFFFFFFF  }
0xc1: {  	_ =	task.clear_ibuf [dreg:s6], $0x2FFFF;
	_ =	strace $0x9FFFFFFF  }
0xc2: {  	(tm) =	ssettm $0x7FFFFFFF  }
0xc3: {  	_ =	shalt  }
tec
execute0_lowered:
.L_overlay_start_1:
0x0: {  	(tag) =	ssettag $0x1  }
0x1: {  	s5 =	rddreg [dreg:$0x0]  }
0x2: {  	s0 =	srdreg.scid;
	s2 =	rddreg [dreg:$0x1]  }
0x3: {  	s3 =	simm.s32 $0x0;
	s12 =	simm.s32 $0x6800;
	s13 =	simm.s32 $0x2  }
0x4: {  	s14 =	simm.s32 $0xA800;
	s15 =	simm.s32 $0x400;
	s16 =	simm.s32 $0x2800  }
0x5: {  	s17 =	simm.s32 $0xAC00;
	s18 =	simm.s32 $0xB000;
	s19 =	simm.s32 $0xB400  }
0x6: {  	s20 =	simm.s32 $0xB800;
	s21 =	simm.s32 $0x1;
	s4 =	sand.u32 $0x1, s0  }
0x7: {  	s23 =	simm.s32 $0x10;
	s0 =	stileid.u32;
	s7 =	smul.u32 $0x140000, s4  }
0x8: {  	s24 =	simm.s32 $0x0;
	[smem:$0x7FF] =	sst s3;
	s8 =	smul.u32 $0x14000, s0  }
0x9: {  	s1 =	sshll.u32 s4, $0x4;
	s9 =	smul.u32 $0xA000, s0;
	s4 =	ssub.s32 $0x2, s4  }
0xa: {  	s22 =	sshll.u32 s0, $0x6;
	s1 =	sor.u32 s0, s1;
	s31 =	sshrl.u32 s4, $0x1  }
0xb: {  	s22 =	sor.u32 $0x1C02, s22;
	s6 =	smul.u32 $0x280, s1;
	s1 =	rddreg [dreg:$0x2]  }
0xc: {  	_ =	strace $0x80000047;
	s7 =	sadd.s32 s8, s7;
	s9 =	sshrl.u32 s9, $0x2  }
0xd: {  	s8 =	ssub.s32 s4, s31;
	s7 =	sshrl.u32 s7, $0x3;
	s4 =	sadd.s32 s9, s2  }
0xe: {  	s6 =	sadd.s32 s6, s5;
	s7 =	sadd.s32 s7, s5;
	s9 =	sadd.s32 $0x1000, s4  }
0xf: {  	s10 =	sadd.s32 $0x1800, s4;
	s11 =	sadd.s32 $0x2000, s4;
	s5 =	sadd.s32 $0x3000, s6  }
0x10: {  	v0 =	vimm.f32 $0.0e+00;
	v1 =	vimm.f32 $1.000000000e+00;
	s6 =	sadd.s32 $0xD000, s7;
	s7 =	smax.u32 s8, $0x1;
	s8 =	sadd.s32 $0x800, s4  }
.LBB2_1:
0x11: {  	s25 =	simm.s32 $0x40;
	s26 =	simm.s32 $0x0  }
.LBB2_2:
0x12: {  	p0 =	sne.s32 s25, $0xFFC0;
	[tilespmem:s26+$0x6800] =	vst v0;
	s28 =	smov.u32 s25;
	s25 =	sadd.s32 $0x40, s25  }
.Ltmp0:
0x13: {  	[tilespmem:s26+$0x2800] =	vst v1;
	(pc) =	sbr.rel @p0 .LBB2_2-.Ltmp0, $2  }
0x14: {  	_ =	sdelay $0x2  }
0x15: {  	s26 =	sshra.s32 s28, $0x2  }
0x16: {  	[tilespmem:s26+$0x6800] =	vst v0  }
0x17: {  	[tilespmem:s26+$0x2800] =	vst v1  }
0x18: {  	[spmem:s4] =	stream.linear.scatter [tilespmem:s12], [sflag:$0x2], $0x800, $0x38;
	[tilespmem:$0xBC00] =	vst v63  }
0x19: {  	_ =	swait.ge [sflag:s13], $0x800  }
0x1a: {  	[sflag:s13] =	ssyncset.done $0x0  }
0x1b: {  	[sflag:s13] =	ssyncadd.s32 $0xFFFFF800  }
0x1c: {  	[spmem:s8] =	stream.linear.scatter [tilespmem:s12], [sflag:$0x2], $0x800, $0x38;
	[tilespmem:$0xBC00] =	vst v63  }
0x1d: {  	_ =	swait.ge [sflag:s13], $0x800  }
0x1e: {  	[sflag:s13] =	ssyncset.done $0x0  }
0x1f: {  	[sflag:s13] =	ssyncadd.s32 $0xFFFFF800  }
0x20: {  	[spmem:s9] =	stream.linear.scatter [tilespmem:s12], [sflag:$0x2], $0x800, $0x38;
	[tilespmem:$0xBC00] =	vst v63  }
0x21: {  	_ =	swait.ge [sflag:s13], $0x800  }
0x22: {  	[sflag:s13] =	ssyncset.done $0x0  }
0x23: {  	[sflag:s13] =	ssyncadd.s32 $0xFFFFF800  }
0x24: {  	[spmem:s10] =	stream.linear.scatter [tilespmem:s12], [sflag:$0x2], $0x800, $0x38;
	[tilespmem:$0xBC00] =	vst v63  }
0x25: {  	_ =	swait.ge [sflag:s13], $0x800  }
0x26: {  	[sflag:s13] =	ssyncset.done $0x0  }
0x27: {  	[sflag:s13] =	ssyncadd.s32 $0xFFFFF800  }
0x28: {  	[spmem:s11] =	stream.linear.scatter [tilespmem:s12], [sflag:$0x2], $0x800, $0x38;
	[tilespmem:$0xBC00] =	vst v63  }
0x29: {  	_ =	swait.ge [sflag:s13], $0x800  }
0x2a: {  	[sflag:s13] =	ssyncset.done $0x0  }
0x2b: {  	[sflag:s13] =	ssyncadd.s32 $0xFFFFF800  }
0x2c: {  	[tilespmem:s14], [sflag:$0x2] =	stream.linear.gather [hbm4b:s5+s3], $0x1400, $0x38;
	[tilespmem:$0xBC00] =	vst v63  }
0x2d: {  	_ =	swait.ge [sflag:s13], $0x1400  }
0x2e: {  	[sflag:s13] =	ssyncset.done $0x0  }
0x2f: {  	[sflag:s13] =	ssyncadd.s32 $0xFFFFEC00  }
0x30: {  	[bflag:$0x0] =	sbarrier.arrive $0xFFFF  }
0x31: {  	[spmem:s2] =	stream.indirect.scatter.add.f32 [tilespmem:s16], [sflag:$0x1], $0x10, s14, s15, $0xb8;
	[tilespmem:$0xBC00] =	vst v63  }
0x32: {  	_ = 	snop  }
0x33: {  	[spmem:s2] =	stream.indirect.scatter.add.f32 [tilespmem:s16], [sflag:$0x1], $0x10, s17, s15, $0xb8;
	[tilespmem:$0xBC00] =	vst v63  }
0x34: {  	_ = 	snop  }
0x35: {  	[spmem:s2] =	stream.indirect.scatter.add.f32 [tilespmem:s16], [sflag:$0x1], $0x10, s18, s15, $0xb8;
	[tilespmem:$0xBC00] =	vst v63  }
0x36: {  	_ = 	snop  }
0x37: {  	[spmem:s2] =	stream.indirect.scatter.add.f32 [tilespmem:s16], [sflag:$0x1], $0x10, s19, s15, $0xb8;
	[tilespmem:$0xBC00] =	vst v63  }
0x38: {  	_ = 	snop  }
0x39: {  	[spmem:s2] =	stream.indirect.scatter.add.f32 [tilespmem:s16], [sflag:$0x1], $0x10, s20, s15, $0xb8;
	[tilespmem:$0xBC00] =	vst v63  }
0x3a: {  	_ =	swait.ge [sflag:s21], $0x4000  }
0x3b: {  	[sflag:s21] =	ssyncset.done $0x0  }
0x3c: {  	[sflag:s21] =	ssyncadd.s32 $0xFFFFC000  }
0x3d: {  	_ =	swait.ge [sflag:s21], $0x4000  }
0x3e: {  	[sflag:s21] =	ssyncset.done $0x0  }
0x3f: {  	[sflag:s21] =	ssyncadd.s32 $0xFFFFC000  }
0x40: {  	_ =	swait.ge [sflag:s21], $0x4000  }
0x41: {  	[sflag:s21] =	ssyncset.done $0x0  }
0x42: {  	[sflag:s21] =	ssyncadd.s32 $0xFFFFC000  }
0x43: {  	_ =	swait.ge [sflag:s21], $0x4000  }
0x44: {  	[sflag:s21] =	ssyncset.done $0x0  }
0x45: {  	[sflag:s21] =	ssyncadd.s32 $0xFFFFC000  }
0x46: {  	_ =	swait.ge [sflag:s21], $0x4000  }
0x47: {  	s24 =	sadd.s32 $0x1, s24;
	[sflag:s21] =	ssyncset.done $0x0  }
0x48: {  	p0 =	sne.s32 s24, s7;
	[sflag:s21] =	ssyncadd.s32 $0xFFFFC000  }
.Ltmp1:
0x49: {  	s25 =	sshrl.u32 s4, $0x3;
	[bflag:$0x0] =	sbarrier.arrive $0xFFFF;
	(pc) =	sbr.rel @p0 .LBB2_1-.Ltmp1, $4  }
0x4a: {  	[hbm:s6@s23], [sflag:s22] =	dma.strided [spmem:s25@s13], $0x500, s21, $0x2   }
0x4b: {  	_ =	swait.ge [sflag:s13], $0x500  }
0x4c: {  	[sflag:s13] =	ssyncset.done $0x0  }
0x4d: {  	[sflag:s13] =	ssyncadd.s32 $0xFFFFFB00  }
0x4e: {  	_ =	sfence.sel $0x180000  }
0x4f: {  	[bflag:$0x0] =	sbarrier.arrive $0xFFFF  }
0x50: {  	p0 =	sne.s32 s0, $0x0;
	_ =	strace $0x90000047  }
0x51: {  	s0 =	sadd.s32 @!p0 $0x100000, s1;
	[bflag:$0x2] =	sbarrier.arrive $0xFFFF  }
0x52: {  	[sflag:s0] =	ssyncadd.tile.s32 @!p0 $0x1;
	_ =	shalt  }
.Lfunc_end2:
_tile_overlayer_lowered:
.L_overlay_start_2:
0x53: {  	(tag) =	ssettag $0x2  }
0x54: {  	s0 =	rddreg [dreg:$0x0];
	s2 =	stileid.u32  }
0x55: {  	s1 =	rddreg [dreg:$0x1];
	p0 =	sne.s32 s2, $0x0  }
0x56: {  	s3 =	rddreg [dreg:$0x2];
	[bflag:$0x3] =	sbarrier.arrive $0xFFFF;
	s2 =	simm.s32 @!p0 $0x1C02  }
0x57: {  	[timem:s3], [sflag:s2] =	dma.local @!p0 [hbm:s0], s1  }
0x58: {  	s0 =	simm.s32 @!p0 $0x2  }
0x59: {  	_ =	swait.ge @!p0 [sflag:s0], s1  }
0x5a: {  	s1 =	ssub.s32 @!p0 $0x0, s1;
	[sflag:s0] =	ssyncset.done @!p0 $0x0  }
0x5b: {  	[sflag:s0] =	ssyncadd.s32 @!p0 s1  }
0x5c: {  	[bflag:$0x3] =	sbarrier.arrive $0xFFFF  }
0x5d: {  	_ =	shalt  }

// kernel: kernel.13.cloned.1.call-start
scs
__scs_entry_jumppad:
0x0: {  	(pc) =	sbr.rel $0x88, $3  }
0x1: {  	(tag) =	ssettag $0x0;
	lr =	simm.s32 $0x1  }
0x2: {  	[smem:$0x3F95] =	sst lr;
	_ =	strace $0xD0000000  }
0x3: {  	_ = 	snop  }
0x4: {  	_ = 	snop  }
0x5: {  	_ = 	snop  }
0x6: {  	_ = 	snop  }
0x7: {  	_ = 	snop  }
__scs_overlays_trampoline_lowered:
0x8: {  	[smem:$0x3FA4] =	sst s0  }
0x9: {  	[smem:$0x3FA5] =	sst s1  }
0xa: {  	[smem:$0x3FA6] =	sst s2  }
0xb: {  	[smem:$0x3FA7] =	sst s3  }
0xc: {  	[smem:$0x3FA8] =	sst s4  }
0xd: {  	[smem:$0x3FA9] =	sst s5  }
0xe: {  	[smem:$0x3FAA] =	sst s6  }
0xf: {  	[smem:$0x3FAB] =	sst s7  }
0x10: {  	[smem:$0x3FAC] =	sst s8  }
0x11: {  	[smem:$0x3FAD] =	sst s9;
	s0 =	simm.s32 @!p0 $0x0  }
0x12: {  	s1 =	sld [smem:$0x3F93];
	s0 =	simm.s32 @p0 $0x1  }
0x13: {  	[smem:$0x3FAE] =	sst s0;
	s0 =	simm.s32 @!p1 $0x0  }
0x14: {  	s2 =	sld [smem:$0x3F92];
	s0 =	simm.s32 @p1 $0x1  }
0x15: {  	[smem:$0x3FAF] =	sst s0;
	s0 =	simm.s32 @!p2 $0x0  }
0x16: {  	s3 =	sld [smem:$0x3FDB];
	s0 =	simm.s32 @p2 $0x1  }
0x17: {  	s4 =	simm.s32 $0x1BF5;
	[smem:$0x3FB1] =	sst s0  }
0x18: {  	s0 =	sld [smem:$0x3F94];
	_ =	swait.ge [sflag:s4], $0x0  }
0x19: {  	s7 =	sld [smem:$0x3F95]  }
0x1a: {  	s8 =	sadd.s32 $0xFFFFE003, lr  }
0x1b: {  	s9 =	sadd.s32 $0xFFFFFEF7, lr;
	s5 =	simm.s32 $0xFFFFFFFF;
	p2 =	slt.u32 s8, $0xFFFFF086  }
0x1c: {  	p1 =	slt.u32 s9, $0xF7A;
	s5 =	simm.s32 @!p2 $0x0  }
0x1d: {  	s5 =	simm.s32 @p1 $0x1;
	p0 =	seq.s32 s7, s2  }
0x1e: {  	s7 =	smul.u32 @!p0 $0xF7A, s2;
	p2 =	seq.s32 @!p0 s5, $0x0  }
0x1f: {  	s9 =	smul.u32 $0xF7A, s1;
	s8 =	simm.s32 @!p0 $0x1BF5;
	p2 =	por !p2, p0  }
0x20: {  	[sflag:s8] =	ssyncset.s32 @!p0 $0xFFFFF086;
	s6 =	sadd.s32 @!p0 s3, s7;
	s7 =	simm.s32 @!p0 $0x108  }
0x21: {  	s3 =	sadd.s32 s3, s9;
	s6 =	sadd.s32 @!p0 $0x88, s6;
	s7 =	simm.s32 @p2 $0x1082  }
0x22: {  	[simem:s7], [sflag:s8] =	dma.local @!p0 [hbm:s6], $0xF7A  }
0x23: {  	s9 =	sor.u32 $0xD0000000, s2;
	s6 =	simm.s32 $0x108;
	_ =	swait.ge @!p0 [sflag:s8], $0x0  }
0x24: {  	s3 =	sadd.s32 $0x88, s3;
	s6 =	simm.s32 @!p1 $0x1082;
	[sflag:s4] =	ssyncset.s32 $0xFFFFF086  }
0x25: {  	[simem:s6], [sflag:s4] =	dma.local [hbm:s3], $0xF7A  }
0x26: {  	[smem:$0x3F95] =	sst s1;
	(tag) =	ssettag s2;
	_ =	strace s9  }
0x27: {  	s1 =	sld [smem:$0x3FA5]  }
0x28: {  	s2 =	sld [smem:$0x3FA6]  }
0x29: {  	s4 =	sld [smem:$0x3FA8]  }
0x2a: {  	p0 =	seq.s32 s5, $0x0;
	s5 =	sld [smem:$0x3FA9]  }
0x2b: {  	s6 =	sld [smem:$0x3FAA]  }
0x2c: {  	s7 =	sld [smem:$0x3FAB]  }
0x2d: {  	s3 =	simm.s32 $0x108;
	s8 =	sld [smem:$0x3FAC]  }
0x2e: {  	s3 =	simm.s32 @!p0 $0x1082;
	s9 =	sld [smem:$0x3FAD]  }
0x2f: {  	lr =	sadd.s32 s0, s3;
	s0 =	sld [smem:$0x3FA4]  }
0x30: {  	s3 =	sld [smem:$0x3FA7]  }
0x31: {  	[smem:$0x3FB0] =	sst s10  }
0x32: {  	s10 =	sld [smem:$0x3FAE];
	_ =	sdelay $0x3  }
0x33: {  	p0 =	seq.s32 s10, $0x1;
	s10 =	sld [smem:$0x3FB0];
	_ =	sdelay $0x3  }
0x34: {  	[smem:$0x3FB0] =	sst s10  }
0x35: {  	s10 =	sld [smem:$0x3FAF];
	_ =	sdelay $0x3  }
0x36: {  	p1 =	seq.s32 s10, $0x1;
	s10 =	sld [smem:$0x3FB0];
	_ =	sdelay $0x3  }
0x37: {  	[smem:$0x3FB0] =	sst s10  }
0x38: {  	s10 =	sld [smem:$0x3FB1]  }
0x39: {  	_ = 	snop;
	(pc) =	sbr.ind lr, $3  }
0x3a: {  	_ = 	snop  }
0x3b: {  	_ = 	snop  }
0x3c: {  	p2 =	seq.s32 s10, $0x1;
	s10 =	sld [smem:$0x3FB0]  }
0x3d: {  	_ =	shalt  }
0x3e: {  	_ =	shalt  }
0x3f: {  	_ =	shalt  }
0x40: {  	_ =	shalt  }
0x41: {  	_ =	shalt  }
0x42: {  	_ =	shalt  }
0x43: {  	_ =	shalt  }
0x44: {  	_ =	shalt  }
0x45: {  	_ =	shalt  }
0x46: {  	_ =	shalt  }
0x47: {  	_ =	shalt  }
0x48: {  	_ =	shalt  }
0x49: {  	_ =	shalt  }
0x4a: {  	_ =	shalt  }
0x4b: {  	_ =	shalt  }
0x4c: {  	_ =	shalt  }
0x4d: {  	_ =	shalt  }
0x4e: {  	_ =	shalt  }
0x4f: {  	_ =	shalt  }
0x50: {  	_ =	shalt  }
0x51: {  	_ =	shalt  }
0x52: {  	_ =	shalt  }
0x53: {  	_ =	shalt  }
0x54: {  	_ =	shalt  }
0x55: {  	_ =	shalt  }
0x56: {  	_ =	shalt  }
0x57: {  	_ =	shalt  }
0x58: {  	_ =	shalt  }
0x59: {  	_ =	shalt  }
0x5a: {  	_ =	shalt  }
0x5b: {  	_ =	shalt  }
0x5c: {  	_ =	shalt  }
0x5d: {  	_ =	shalt  }
0x5e: {  	_ =	shalt  }
0x5f: {  	_ =	shalt  }
0x60: {  	_ =	shalt  }
0x61: {  	_ =	shalt  }
0x62: {  	_ =	shalt  }
0x63: {  	_ =	shalt  }
0x64: {  	_ =	shalt  }
0x65: {  	_ =	shalt  }
0x66: {  	_ =	shalt  }
0x67: {  	_ =	shalt  }
0x68: {  	_ =	shalt  }
0x69: {  	_ =	shalt  }
0x6a: {  	_ =	shalt  }
0x6b: {  	_ =	shalt  }
0x6c: {  	_ =	shalt  }
0x6d: {  	_ =	shalt  }
0x6e: {  	_ =	shalt  }
0x6f: {  	_ =	shalt  }
0x70: {  	_ =	shalt  }
0x71: {  	_ =	shalt  }
0x72: {  	_ =	shalt  }
0x73: {  	_ =	shalt  }
0x74: {  	_ =	shalt  }
0x75: {  	_ =	shalt  }
0x76: {  	_ =	shalt  }
0x77: {  	_ =	shalt  }
0x78: {  	_ =	shalt  }
0x79: {  	_ =	shalt  }
0x7a: {  	_ =	shalt  }
0x7b: {  	_ =	shalt  }
0x7c: {  	_ =	shalt  }
0x7d: {  	_ =	shalt  }
0x7e: {  	_ =	shalt  }
0x7f: {  	_ =	shalt  }
0x80: {  	_ =	shalt  }
0x81: {  	_ =	shalt  }
0x82: {  	_ =	shalt  }
0x83: {  	_ =	shalt  }
0x84: {  	_ =	shalt  }
0x85: {  	_ =	shalt  }
0x86: {  	_ =	shalt  }
0x87: {  	_ =	shalt  }
.Lfunc_end0:
.L_simem_size_0:
called_computation.1_lowered:
.L_overlay_start_0:
0x88: {  	s2 =	sld [smem:$0x3FD9]  }
0x89: {  	s3 =	sld [smem:$0x3FFE];
	_ =	sdelay $0x1  }
0x8a: {  	s1 =	srdreg.scid  }
0x8b: {  	s0 =	sand.u32 $0x1, s1  }
0x8c: {  	s16 =	sshll.u32 s0, $0xA;
	s2 =	sadd.s32 s3, s2  }
0x8d: {  	s2 =	sadd.s32 s2, s16  }
0x8e: {  	[smem:$0x3FBC] =	sst s2  }
0x8f: {  	_ = 	snop  }
0x90: {  	(tm) =	ssettm $0x1  }
0x91: {  	s17 =	sld [smem:$0x3FFB];
	_ =	sdelay $0x3  }
0x92: {  	_ =	strace s17  }
0x93: {  	s2 =	sld [smem:$0x3FFC];
	_ =	sdelay $0x3  }
0x94: {  	_ =	strace s2  }
0x95: {  	s2 =	sld [smem:$0x3FFD];
	_ =	sdelay $0x3  }
0x96: {  	_ =	strace s2  }
0x97: {  	_ =	strace $0x8FFFFFFF  }
0x98: {  	s18 =	sld [smem:$0x3FDB];
	_ =	sdelay $0x1  }
0x99: {  	s19 =	simm.s32 $_scs_section_size  }
0x9a: {  	s4 =	simm.s32 $_size__tile_overlayer_lowered;
	s5 =	simm.s32 $_tile_overlayer_lowered  }
0x9b: {  	s22 =	simm.s32 $0x1BFF;
	s21 =	sshll.u32 s5, $0x1;
	s2 =	sadd.s32 s19, s18  }
0x9c: {  	s6 =	simm.s32 $0x0;
	s20 =	sshll.u32 s4, $0x1;
	s4 =	sadd.s32 s21, s2  }
0x9d: {  	[timem:s6], [sflag:s22] =	dma.local [hbm:s4], s20  }
0x9e: {  	_ =	swait.ge [sflag:s22], s20  }
0x9f: {  	s3 =	ssub.s32 $0x0, s20;
	[sflag:s22] =	ssyncset.done $0x0  }
0xa0: {  	[sflag:s22] =	ssyncadd.s32 s3;
	_ =	sdelay $0x1  }
0xa1: {  	s23 =	simm.s32 $0x1B8B  }
0xa2: {  	_ =	swait.ge [sflag:s23], $0x1  }
0xa3: {  	[sflag:s23] =	ssyncset.done $0x0  }
0xa4: {  	s25 =	simm.s32 $0x1B8E;
	s24 =	sld [smem:$0x3FFE];
	[sflag:s23] =	ssyncadd.s32 $0xFFFFFFFF  }
0xa5: {  	s26 =	simm.s32 $execute0_lowered;
	[smem:$0x3FD2] =	sst s25  }
0xa6: {  	s4 =	sshll.u32 s26, $0x1;
	_ =	strace $0x80000049;
	[dreg:$0x1] =	wrdreg $0xFFFFFFFF  }
0xa7: {  	s28 =	simm.s32 $_size_execute0_lowered;
	s2 =	sadd.s32 s2, s4;
	[dreg:$0x0] =	wrdreg $0x0  }
0xa8: {  	s4 =	sshll.u32 s28, $0x1;
	[dreg:$0x2] =	wrdreg s2  }
0xa9: {  	[dreg:$0x3] =	wrdreg s4  }
0xaa: {  	[dreg:$0x4] =	wrdreg $0xC0  }
0xab: {  	_ =	task [dreg:s6], $0x5FFFF  }
0xac: {  	[dreg:$0x1] =	wrdreg $0xFFFFFFFF  }
0xad: {  	[dreg:$0x0] =	wrdreg $0x60  }
0xae: {  	[dreg:$0x2] =	wrdreg s24  }
0xaf: {  	[dreg:$0x3] =	wrdreg $0x0  }
0xb0: {  	[dreg:$0x4] =	wrdreg $0x9  }
0xb1: {  	_ =	task.clear_ibuf [dreg:s6], $0x5FFFF;
	_ =	strace $0x90000049  }
0xb2: {  	s29 =	simm.s32 $0x9;
	_ =	strace $0x8000004B  }
0xb3: {  	_ =	swait.ge [sflag:s29], $0x1  }
0xb4: {  	[sflag:s29] =	ssyncadd.s32 $0xFFFFFFFF  }
0xb5: {  	_ =	strace $0x9000004B  }
0xb6: {  	_ =	sfence  }
0xb7: {  	s30 =	sld [smem:$0x0];
	_ =	sdelay $0x2  }
0xb8: {  	s31 =	sshll.u32 s1, $0xD;
	s1 =	sshrl.u32 s1, $0x2  }
0xb9: {  	s3 =	sand.u32 $0x4000, s31;
	s1 =	sadd.s32 s1, s30  }
0xba: {  	s0 =	sor.u32 s3, s0;
	s1 =	sshll.u32 s1, $0x11  }
0xbb: {  	s0 =	sor.u32 s1, s0  }
0xbc: {  	s0 =	sadd.s32 $0x8F2B, s0  }
0xbd: {  	[sflag:s0] =	ssyncadd.remote.s32 $0x1  }
0xbe: {  	_ =	sfence.sel $0xFFFF  }
0xbf: {  	[dreg:$0x0] =	wrdreg $0xFFFFFFFF;
	(pc) =	sbr.abs _section_cstart, $3  }
0xc0: {  	[dreg:$0x1] =	wrdreg $0xFFFFFFFF  }
0xc1: {  	_ =	task.clear_ibuf [dreg:s6], $0x2FFFF;
	_ =	strace $0x9FFFFFFF  }
0xc2: {  	(tm) =	ssettm $0x7FFFFFFF  }
0xc3: {  	_ =	shalt  }
tec
execute0_lowered:
.L_overlay_start_1:
0x0: {  	(tag) =	ssettag $0x1  }
0x1: {  	s5 =	rddreg [dreg:$0x0]  }
0x2: {  	s1 =	rddreg [dreg:$0x1]  }
0x3: {  	s2 =	srdreg.scid;
	s0 =	rddreg [dreg:$0x2];
	s3 =	simm.s32 $0x0  }
0x4: {  	s14 =	simm.s32 $0x18000;
	s15 =	simm.s32 $0x3;
	s16 =	simm.s32 $0x1C000  }
0x5: {  	s17 =	simm.s32 $0x1D400;
	s18 =	simm.s32 $0x80;
	s19 =	simm.s32 $0x14000  }
0x6: {  	s20 =	simm.s32 $0x1;
	s21 =	simm.s32 $0x4;
	s22 =	simm.s32 $0x2  }
0x7: {  	s23 =	simm.s32 $0x1D380;
	s24 =	simm.s32 $0x1E700;
	s6 =	sand.u32 $0x1, s2  }
0x8: {  	s26 =	simm.s32 $0x1E780;
	s2 =	stileid.u32;
	s7 =	smul.u32 $0x140000, s6  }
0x9: {  	[smem:$0x7FF] =	sst s3;
	s4 =	sshll.u32 s6, $0x4;
	s9 =	smul.u32 $0x14000, s2  }
0xa: {  	s10 =	smul.u32 $0x50000, s2;
	s6 =	ssub.s32 $0x2, s6;
	s4 =	sor.u32 s2, s4  }
0xb: {  	_ =	strace $0x8000004A;
	s29 =	sshrl.u32 s6, $0x1;
	s8 =	smul.u32 $0x280, s4  }
0xc: {  	s4 =	sadd.s32 $0xD000, s5;
	s7 =	sadd.s32 s9, s7;
	s30 =	sshrl.u32 s10, $0x2  }
0xd: {  	s31 =	ssub.s32 s6, s29;
	s25 =	sadd.s32 s9, s1;
	s7 =	sshrl.u32 s7, $0x3  }
0xe: {  	s9 =	smax.u32 s31, $0x1;
	s25 =	sshrl.u32 s25, $0x3;
	s8 =	sadd.s32 s8, s5  }
0xf: {  	s11 =	sadd.s32 s7, s5;
	s5 =	sadd.s32 s30, s1;
	s6 =	sadd.s32 $0x8000, s8  }
0x10: {  	s7 =	sadd.s32 $0x3000, s8;
	s8 =	sadd.s32 $0x34200, s11;
	s10 =	sadd.s32 $0x4000, s5  }
0x11: {  	v0 =	vimm.f32 $0.0e+00;
	s11 =	sadd.s32 $0x8000, s5;
	s12 =	sadd.s32 $0xC000, s5;
	s13 =	sadd.s32 $0x10000, s5  }
.LBB2_1:
0x12: {  	s28 =	simm.s32 $0x0;
	s29 =	simm.s32 $0x200  }
.LBB2_2:
0x13: {  	p0 =	sne.s32 s29, $0xFE00;
	[tilespmem:s28+$0x18070] =	vst v0  }
0x14: {  	[tilespmem:s28+$0x18000] =	vst v0  }
0x15: {  	[tilespmem:s28+$0x18010] =	vst v0  }
.Ltmp0:
0x16: {  	[tilespmem:s28+$0x18020] =	vst v0;
	(pc) =	sbr.rel @p0 .LBB2_2-.Ltmp0, $4  }
0x17: {  	[tilespmem:s28+$0x18030] =	vst v0  }
0x18: {  	[tilespmem:s28+$0x18040] =	vst v0  }
0x19: {  	[tilespmem:s28+$0x18050] =	vst v0  }
0x1a: {  	[tilespmem:s28+$0x18060] =	vst v0;
	s28 =	sshra.s32 s29, $0x2;
	s29 =	sadd.s32 $0x200, s29  }
0x1b: {  	[tilespmem:s28+$0x18070] =	vst v0  }
0x1c: {  	[tilespmem:s28+$0x18000] =	vst v0  }
0x1d: {  	[tilespmem:s28+$0x18010] =	vst v0  }
0x1e: {  	[tilespmem:s28+$0x18020] =	vst v0  }
0x1f: {  	[tilespmem:s28+$0x18030] =	vst v0  }
0x20: {  	[tilespmem:s28+$0x18040] =	vst v0  }
0x21: {  	[tilespmem:s28+$0x18050] =	vst v0  }
0x22: {  	[tilespmem:s28+$0x18060] =	vst v0  }
0x23: {  	[spmem:s5] =	stream.linear.scatter [tilespmem:s14], [sflag:$0x3], $0x4000, $0x38;
	[tilespmem:$0x1E800] =	vst v63  }
0x24: {  	_ =	swait.ge [sflag:s15], $0x4000  }
0x25: {  	[sflag:s15] =	ssyncset.done $0x0  }
0x26: {  	[sflag:s15] =	ssyncadd.s32 $0xFFFFC000  }
0x27: {  	[spmem:s10] =	stream.linear.scatter [tilespmem:s14], [sflag:$0x3], $0x4000, $0x38;
	[tilespmem:$0x1E800] =	vst v63  }
0x28: {  	_ =	swait.ge [sflag:s15], $0x4000  }
0x29: {  	[sflag:s15] =	ssyncset.done $0x0  }
0x2a: {  	[sflag:s15] =	ssyncadd.s32 $0xFFFFC000  }
0x2b: {  	[spmem:s11] =	stream.linear.scatter [tilespmem:s14], [sflag:$0x3], $0x4000, $0x38;
	[tilespmem:$0x1E800] =	vst v63  }
0x2c: {  	_ =	swait.ge [sflag:s15], $0x4000  }
0x2d: {  	[sflag:s15] =	ssyncset.done $0x0  }
0x2e: {  	[sflag:s15] =	ssyncadd.s32 $0xFFFFC000  }
0x2f: {  	[spmem:s12] =	stream.linear.scatter [tilespmem:s14], [sflag:$0x3], $0x4000, $0x38;
	[tilespmem:$0x1E800] =	vst v63  }
0x30: {  	_ =	swait.ge [sflag:s15], $0x4000  }
0x31: {  	[sflag:s15] =	ssyncset.done $0x0  }
0x32: {  	[sflag:s15] =	ssyncadd.s32 $0xFFFFC000  }
0x33: {  	[spmem:s13] =	stream.linear.scatter [tilespmem:s14], [sflag:$0x3], $0x4000, $0x38;
	[tilespmem:$0x1E800] =	vst v63  }
0x34: {  	_ =	swait.ge [sflag:s15], $0x4000  }
0x35: {  	[sflag:s15] =	ssyncset.done $0x0  }
0x36: {  	s28 =	simm.s32 $0x0;
	[sflag:s15] =	ssyncadd.s32 $0xFFFFC000  }
0x37: {  	[tilespmem:s16], [sflag:$0x3] =	stream.linear.gather [hbm4b:s6+s28], $0x1400, $0x38;
	[tilespmem:$0x1E800] =	vst v63  }
0x38: {  	_ =	swait.ge [sflag:s15], $0x1400  }
0x39: {  	[sflag:s15] =	ssyncset.done $0x0  }
0x3a: {  	[sflag:s15] =	ssyncadd.s32 $0xFFFFEC00  }
0x3b: {  	[tilespmem:s17], [sflag:$0x3] =	stream.linear.gather [hbm4b:s7+s28], $0x1400, $0x38;
	[tilespmem:$0x1E800] =	vst v63  }
0x3c: {  	_ =	swait.ge [sflag:s15], $0x1400  }
0x3d: {  	[sflag:s15] =	ssyncset.done $0x0  }
0x3e: {  	[sflag:s15] =	ssyncadd.s32 $0xFFFFEC00  }
0x3f: {  	[bflag:$0x0] =	sbarrier.arrive $0xFFFF  }
0x40: {  	[tilespmem:s19], [sflag:$0x1] =	stream.indirect.gather [hbm4b:s4+s18], $0x80, s16, s18, $0xb8;
	[tilespmem:$0x1E800] =	vst v63  }
0x41: {  	_ =	swait.ge [sflag:s20], $0x4000  }
0x42: {  	[sflag:s20] =	ssyncset.done $0x0  }
0x43: {  	s28 =	simm.s32 $0x1C080;
	[sflag:s20] =	ssyncadd.s32 $0xFFFFC000  }
0x44: {  	[tilespmem:s14], [sflag:$0x2] =	stream.indirect.gather [hbm4b:s4+s18], $0x80, s28, s18, $0xb8;
	[tilespmem:$0x1E800] =	vst v63  }
0x45: {  	s28 =	simm.s32 $0x1D400  }
0x46: {  	[spmem:s1] =	stream.indirect.scatter.add.f32 [tilespmem:s19], [sflag:$0x4], $0x80, s28, s18, $0xb8;
	[tilespmem:$0x1E800] =	vst v63  }
0x47: {  	_ =	swait.ge [sflag:s21], $0x4000  }
0x48: {  	[sflag:s21] =	ssyncset.done $0x0  }
0x49: {  	[sflag:s21] =	ssyncadd.s32 $0xFFFFC000  }
0x4a: {  	_ =	swait.ge [sflag:s22], $0x4000  }
0x4b: {  	[sflag:s22] =	ssyncset.done $0x0  }
0x4c: {  	s28 =	simm.s32 $0x1C100;
	[sflag:s22] =	ssyncadd.s32 $0xFFFFC000  }
0x4d: {  	[tilespmem:s19], [sflag:$0x1] =	stream.indirect.gather [hbm4b:s4+s18], $0x80, s28, s18, $0xb8;
	[tilespmem:$0x1E800] =	vst v63  }
0x4e: {  	s28 =	simm.s32 $0x1D480  }
0x4f: {  	[spmem:s1] =	stream.indirect.scatter.add.f32 [tilespmem:s14], [sflag:$0x3], $0x80, s28, s18, $0xb8;
	[tilespmem:$0x1E800] =	vst v63  }
0x50: {  	_ =	swait.ge [sflag:s15], $0x4000  }
0x51: {  	s28 =	simm.s32 $0x400;
	[sflag:s15] =	ssyncset.done $0x0  }
.LBB2_4:
0x52: {  	p0 =	sne.s32 s28, $0x4800  }
0x53: {  	[sflag:s15] =	ssyncadd.s32 $0xFFFFC000;
	s29 =	smov.u32 s28;
	s28 =	sadd.s32 $0x400, s28  }
0x54: {  	_ = 	snop  }
0x55: {  	_ =	swait.ge [sflag:s20], $0x4000  }
0x56: {  	s29 =	sshra.s32 s29, $0x2;
	[sflag:s20] =	ssyncset.done $0x0  }
0x57: {  	s30 =	sadd.s32 $0x1C080, s29;
	[sflag:s20] =	ssyncadd.s32 $0xFFFFC000  }
0x58: {  	[tilespmem:s14], [sflag:$0x2] =	stream.indirect.gather [hbm4b:s4+s18], $0x80, s30, s18, $0xb8;
	[tilespmem:$0x1E800] =	vst v63  }
0x59: {  	s30 =	sadd.s32 $0x1D400, s29  }
0x5a: {  	[spmem:s1] =	stream.indirect.scatter.add.f32 [tilespmem:s19], [sflag:$0x4], $0x80, s30, s18, $0xb8;
	[tilespmem:$0x1E800] =	vst v63  }
0x5b: {  	_ =	swait.ge [sflag:s21], $0x4000  }
0x5c: {  	[sflag:s21] =	ssyncset.done $0x0  }
0x5d: {  	[sflag:s21] =	ssyncadd.s32 $0xFFFFC000  }
0x5e: {  	_ =	swait.ge [sflag:s22], $0x4000  }
0x5f: {  	[sflag:s22] =	ssyncset.done $0x0  }
0x60: {  	s30 =	sadd.s32 $0x1C100, s29;
	[sflag:s22] =	ssyncadd.s32 $0xFFFFC000  }
0x61: {  	[tilespmem:s19], [sflag:$0x1] =	stream.indirect.gather [hbm4b:s4+s18], $0x80, s30, s18, $0xb8;
	[tilespmem:$0x1E800] =	vst v63  }
.Ltmp1:
0x62: {  	_ = 	snop;
	(pc) =	sbr.rel @p0 .LBB2_4-.Ltmp1, $4  }
0x63: {  	s29 =	sadd.s32 $0x1D480, s29  }
0x64: {  	[spmem:s1] =	stream.indirect.scatter.add.f32 [tilespmem:s14], [sflag:$0x3], $0x80, s29, s18, $0xb8;
	[tilespmem:$0x1E800] =	vst v63  }
0x65: {  	_ =	swait.ge [sflag:s15], $0x4000  }
0x66: {  	[sflag:s15] =	ssyncset.done $0x0  }
0x67: {  	[sflag:s15] =	ssyncadd.s32 $0xFFFFC000  }
0x68: {  	_ =	swait.ge [sflag:s20], $0x4000  }
0x69: {  	[sflag:s20] =	ssyncset.done $0x0  }
0x6a: {  	[sflag:s20] =	ssyncadd.s32 $0xFFFFC000  }
0x6b: {  	[tilespmem:s14], [sflag:$0x2] =	stream.indirect.gather [hbm4b:s4+s18], $0x80, s23, s18, $0xb8;
	[tilespmem:$0x1E800] =	vst v63  }
0x6c: {  	_ = 	snop  }
0x6d: {  	[spmem:s1] =	stream.indirect.scatter.add.f32 [tilespmem:s19], [sflag:$0x4], $0x80, s24, s18, $0xb8;
	[tilespmem:$0x1E800] =	vst v63  }
0x6e: {  	_ =	swait.ge [sflag:s21], $0x4000  }
0x6f: {  	[sflag:s21] =	ssyncset.done $0x0  }
0x70: {  	[sflag:s21] =	ssyncadd.s32 $0xFFFFC000  }
0x71: {  	_ =	swait.ge [sflag:s22], $0x4000  }
0x72: {  	[sflag:s22] =	ssyncset.done $0x0  }
0x73: {  	[sflag:s22] =	ssyncadd.s32 $0xFFFFC000  }
0x74: {  	[spmem:s1] =	stream.indirect.scatter.add.f32 [tilespmem:s14], [sflag:$0x3], $0x80, s26, s18, $0xb8;
	[tilespmem:$0x1E800] =	vst v63  }
0x75: {  	_ =	swait.ge [sflag:s15], $0x4000  }
0x76: {  	s3 =	sadd.s32 $0x1, s3;
	[sflag:s15] =	ssyncset.done $0x0  }
0x77: {  	s28 =	sshll.u32 s2, $0x6;
	p0 =	sne.s32 s3, s9;
	[sflag:s15] =	ssyncadd.s32 $0xFFFFC000  }
.Ltmp2:
0x78: {  	s28 =	sor.u32 $0x1C03, s28;
	[bflag:$0x0] =	sbarrier.arrive $0xFFFF;
	(pc) =	sbr.rel @p0 .LBB2_1-.Ltmp2, $4  }
0x79: {  	[hbm:s8], [sflag:s28] =	dma.local [spmem:s25], $0x2800  }
0x7a: {  	_ =	swait.ge [sflag:s15], $0x2800  }
0x7b: {  	[sflag:s15] =	ssyncset.done $0x0  }
0x7c: {  	[sflag:s15] =	ssyncadd.s32 $0xFFFFD800  }
0x7d: {  	_ =	sfence.sel $0x180000  }
0x7e: {  	[bflag:$0x0] =	sbarrier.arrive $0xFFFF  }
0x7f: {  	p0 =	sne.s32 s2, $0x0;
	_ =	strace $0x9000004A  }
0x80: {  	s0 =	sadd.s32 @!p0 $0x100000, s0;
	[bflag:$0x2] =	sbarrier.arrive $0xFFFF  }
0x81: {  	[sflag:s0] =	ssyncadd.tile.s32 @!p0 $0x1;
	_ =	shalt  }
.Lfunc_end2:
_tile_overlayer_lowered:
.L_overlay_start_2:
0x82: {  	(tag) =	ssettag $0x2  }
0x83: {  	s0 =	rddreg [dreg:$0x0];
	s2 =	stileid.u32  }
0x84: {  	s1 =	rddreg [dreg:$0x1];
	p0 =	sne.s32 s2, $0x0  }
0x85: {  	s3 =	rddreg [dreg:$0x2];
	[bflag:$0x3] =	sbarrier.arrive $0xFFFF;
	s2 =	simm.s32 @!p0 $0x1C03  }
0x86: {  	[timem:s3], [sflag:s2] =	dma.local @!p0 [hbm:s0], s1  }
0x87: {  	s0 =	simm.s32 @!p0 $0x3  }
0x88: {  	_ =	swait.ge @!p0 [sflag:s0], s1  }
0x89: {  	s1 =	ssub.s32 @!p0 $0x0, s1;
	[sflag:s0] =	ssyncset.done @!p0 $0x0  }
0x8a: {  	[sflag:s0] =	ssyncadd.s32 @!p0 s1  }
0x8b: {  	[bflag:$0x3] =	sbarrier.arrive $0xFFFF  }
0x8c: {  	_ =	shalt  }

// kernel: kernel.16.cloned.1.call-start
scs
__scs_entry_jumppad:
0x0: {  	(pc) =	sbr.rel $0x88, $3  }
0x1: {  	(tag) =	ssettag $0x0;
	lr =	simm.s32 $0x1  }
0x2: {  	[smem:$0x3F95] =	sst lr;
	_ =	strace $0xD0000000  }
0x3: {  	_ = 	snop  }
0x4: {  	_ = 	snop  }
0x5: {  	_ = 	snop  }
0x6: {  	_ = 	snop  }
0x7: {  	_ = 	snop  }
__scs_overlays_trampoline_lowered:
0x8: {  	[smem:$0x3FA4] =	sst s0  }
0x9: {  	[smem:$0x3FA5] =	sst s1  }
0xa: {  	[smem:$0x3FA6] =	sst s2  }
0xb: {  	[smem:$0x3FA7] =	sst s3  }
0xc: {  	[smem:$0x3FA8] =	sst s4  }
0xd: {  	[smem:$0x3FA9] =	sst s5  }
0xe: {  	[smem:$0x3FAA] =	sst s6  }
0xf: {  	[smem:$0x3FAB] =	sst s7  }
0x10: {  	[smem:$0x3FAC] =	sst s8  }
0x11: {  	[smem:$0x3FAD] =	sst s9;
	s0 =	simm.s32 @!p0 $0x0  }
0x12: {  	s1 =	sld [smem:$0x3F93];
	s0 =	simm.s32 @p0 $0x1  }
0x13: {  	[smem:$0x3FAE] =	sst s0;
	s0 =	simm.s32 @!p1 $0x0  }
0x14: {  	s2 =	sld [smem:$0x3F92];
	s0 =	simm.s32 @p1 $0x1  }
0x15: {  	[smem:$0x3FAF] =	sst s0;
	s0 =	simm.s32 @!p2 $0x0  }
0x16: {  	s3 =	sld [smem:$0x3FDB];
	s0 =	simm.s32 @p2 $0x1  }
0x17: {  	s4 =	simm.s32 $0x1BF5;
	[smem:$0x3FB1] =	sst s0  }
0x18: {  	s0 =	sld [smem:$0x3F94];
	_ =	swait.ge [sflag:s4], $0x0  }
0x19: {  	s7 =	sld [smem:$0x3F95]  }
0x1a: {  	s8 =	sadd.s32 $0xFFFFE003, lr  }
0x1b: {  	s9 =	sadd.s32 $0xFFFFFEF7, lr;
	s5 =	simm.s32 $0xFFFFFFFF;
	p2 =	slt.u32 s8, $0xFFFFF086  }
0x1c: {  	p1 =	slt.u32 s9, $0xF7A;
	s5 =	simm.s32 @!p2 $0x0  }
0x1d: {  	s5 =	simm.s32 @p1 $0x1;
	p0 =	seq.s32 s7, s2  }
0x1e: {  	s7 =	smul.u32 @!p0 $0xF7A, s2;
	p2 =	seq.s32 @!p0 s5, $0x0  }
0x1f: {  	s9 =	smul.u32 $0xF7A, s1;
	s8 =	simm.s32 @!p0 $0x1BF5;
	p2 =	por !p2, p0  }
0x20: {  	[sflag:s8] =	ssyncset.s32 @!p0 $0xFFFFF086;
	s6 =	sadd.s32 @!p0 s3, s7;
	s7 =	simm.s32 @!p0 $0x108  }
0x21: {  	s3 =	sadd.s32 s3, s9;
	s6 =	sadd.s32 @!p0 $0x88, s6;
	s7 =	simm.s32 @p2 $0x1082  }
0x22: {  	[simem:s7], [sflag:s8] =	dma.local @!p0 [hbm:s6], $0xF7A  }
0x23: {  	s9 =	sor.u32 $0xD0000000, s2;
	s6 =	simm.s32 $0x108;
	_ =	swait.ge @!p0 [sflag:s8], $0x0  }
0x24: {  	s3 =	sadd.s32 $0x88, s3;
	s6 =	simm.s32 @!p1 $0x1082;
	[sflag:s4] =	ssyncset.s32 $0xFFFFF086  }
0x25: {  	[simem:s6], [sflag:s4] =	dma.local [hbm:s3], $0xF7A  }
0x26: {  	[smem:$0x3F95] =	sst s1;
	(tag) =	ssettag s2;
	_ =	strace s9  }
0x27: {  	s1 =	sld [smem:$0x3FA5]  }
0x28: {  	s2 =	sld [smem:$0x3FA6]  }
0x29: {  	s4 =	sld [smem:$0x3FA8]  }
0x2a: {  	p0 =	seq.s32 s5, $0x0;
	s5 =	sld [smem:$0x3FA9]  }
0x2b: {  	s6 =	sld [smem:$0x3FAA]  }
0x2c: {  	s7 =	sld [smem:$0x3FAB]  }
0x2d: {  	s3 =	simm.s32 $0x108;
	s8 =	sld [smem:$0x3FAC]  }
0x2e: {  	s3 =	simm.s32 @!p0 $0x1082;
	s9 =	sld [smem:$0x3FAD]  }
0x2f: {  	lr =	sadd.s32 s0, s3;
	s0 =	sld [smem:$0x3FA4]  }
0x30: {  	s3 =	sld [smem:$0x3FA7]  }
0x31: {  	[smem:$0x3FB0] =	sst s10  }
0x32: {  	s10 =	sld [smem:$0x3FAE];
	_ =	sdelay $0x3  }
0x33: {  	p0 =	seq.s32 s10, $0x1;
	s10 =	sld [smem:$0x3FB0];
	_ =	sdelay $0x3  }
0x34: {  	[smem:$0x3FB0] =	sst s10  }
0x35: {  	s10 =	sld [smem:$0x3FAF];
	_ =	sdelay $0x3  }
0x36: {  	p1 =	seq.s32 s10, $0x1;
	s10 =	sld [smem:$0x3FB0];
	_ =	sdelay $0x3  }
0x37: {  	[smem:$0x3FB0] =	sst s10  }
0x38: {  	s10 =	sld [smem:$0x3FB1]  }
0x39: {  	_ = 	snop;
	(pc) =	sbr.ind lr, $3  }
0x3a: {  	_ = 	snop  }
0x3b: {  	_ = 	snop  }
0x3c: {  	p2 =	seq.s32 s10, $0x1;
	s10 =	sld [smem:$0x3FB0]  }
0x3d: {  	_ =	shalt  }
0x3e: {  	_ =	shalt  }
0x3f: {  	_ =	shalt  }
0x40: {  	_ =	shalt  }
0x41: {  	_ =	shalt  }
0x42: {  	_ =	shalt  }
0x43: {  	_ =	shalt  }
0x44: {  	_ =	shalt  }
0x45: {  	_ =	shalt  }
0x46: {  	_ =	shalt  }
0x47: {  	_ =	shalt  }
0x48: {  	_ =	shalt  }
0x49: {  	_ =	shalt  }
0x4a: {  	_ =	shalt  }
0x4b: {  	_ =	shalt  }
0x4c: {  	_ =	shalt  }
0x4d: {  	_ =	shalt  }
0x4e: {  	_ =	shalt  }
0x4f: {  	_ =	shalt  }
0x50: {  	_ =	shalt  }
0x51: {  	_ =	shalt  }
0x52: {  	_ =	shalt  }
0x53: {  	_ =	shalt  }
0x54: {  	_ =	shalt  }
0x55: {  	_ =	shalt  }
0x56: {  	_ =	shalt  }
0x57: {  	_ =	shalt  }
0x58: {  	_ =	shalt  }
0x59: {  	_ =	shalt  }
0x5a: {  	_ =	shalt  }
0x5b: {  	_ =	shalt  }
0x5c: {  	_ =	shalt  }
0x5d: {  	_ =	shalt  }
0x5e: {  	_ =	shalt  }
0x5f: {  	_ =	shalt  }
0x60: {  	_ =	shalt  }
0x61: {  	_ =	shalt  }
0x62: {  	_ =	shalt  }
0x63: {  	_ =	shalt  }
0x64: {  	_ =	shalt  }
0x65: {  	_ =	shalt  }
0x66: {  	_ =	shalt  }
0x67: {  	_ =	shalt  }
0x68: {  	_ =	shalt  }
0x69: {  	_ =	shalt  }
0x6a: {  	_ =	shalt  }
0x6b: {  	_ =	shalt  }
0x6c: {  	_ =	shalt  }
0x6d: {  	_ =	shalt  }
0x6e: {  	_ =	shalt  }
0x6f: {  	_ =	shalt  }
0x70: {  	_ =	shalt  }
0x71: {  	_ =	shalt  }
0x72: {  	_ =	shalt  }
0x73: {  	_ =	shalt  }
0x74: {  	_ =	shalt  }
0x75: {  	_ =	shalt  }
0x76: {  	_ =	shalt  }
0x77: {  	_ =	shalt  }
0x78: {  	_ =	shalt  }
0x79: {  	_ =	shalt  }
0x7a: {  	_ =	shalt  }
0x7b: {  	_ =	shalt  }
0x7c: {  	_ =	shalt  }
0x7d: {  	_ =	shalt  }
0x7e: {  	_ =	shalt  }
0x7f: {  	_ =	shalt  }
0x80: {  	_ =	shalt  }
0x81: {  	_ =	shalt  }
0x82: {  	_ =	shalt  }
0x83: {  	_ =	shalt  }
0x84: {  	_ =	shalt  }
0x85: {  	_ =	shalt  }
0x86: {  	_ =	shalt  }
0x87: {  	_ =	shalt  }
.Lfunc_end0:
.L_simem_size_0:
called_computation.2_lowered:
.L_overlay_start_0:
0x88: {  	s2 =	sld [smem:$0x3FD9]  }
0x89: {  	s3 =	sld [smem:$0x3FFE];
	_ =	sdelay $0x1  }
0x8a: {  	s1 =	srdreg.scid  }
0x8b: {  	s0 =	sand.u32 $0x1, s1  }
0x8c: {  	s16 =	sshll.u32 s0, $0xA;
	s2 =	sadd.s32 s3, s2  }
0x8d: {  	s2 =	sadd.s32 s2, s16  }
0x8e: {  	[smem:$0x3FBC] =	sst s2  }
0x8f: {  	_ = 	snop  }
0x90: {  	(tm) =	ssettm $0x1  }
0x91: {  	s17 =	sld [smem:$0x3FFB];
	_ =	sdelay $0x3  }
0x92: {  	_ =	strace s17  }
0x93: {  	s2 =	sld [smem:$0x3FFC];
	_ =	sdelay $0x3  }
0x94: {  	_ =	strace s2  }
0x95: {  	s2 =	sld [smem:$0x3FFD];
	_ =	sdelay $0x3  }
0x96: {  	_ =	strace s2  }
0x97: {  	_ =	strace $0x8FFFFFFF  }
0x98: {  	s18 =	sld [smem:$0x3FDB];
	_ =	sdelay $0x1  }
0x99: {  	s19 =	simm.s32 $_scs_section_size  }
0x9a: {  	s4 =	simm.s32 $_size__tile_overlayer_lowered;
	s5 =	simm.s32 $_tile_overlayer_lowered  }
0x9b: {  	s22 =	simm.s32 $0x1BFF;
	s21 =	sshll.u32 s5, $0x1;
	s2 =	sadd.s32 s19, s18  }
0x9c: {  	s6 =	simm.s32 $0x0;
	s20 =	sshll.u32 s4, $0x1;
	s4 =	sadd.s32 s21, s2  }
0x9d: {  	[timem:s6], [sflag:s22] =	dma.local [hbm:s4], s20  }
0x9e: {  	_ =	swait.ge [sflag:s22], s20  }
0x9f: {  	s3 =	ssub.s32 $0x0, s20;
	[sflag:s22] =	ssyncset.done $0x0  }
0xa0: {  	[sflag:s22] =	ssyncadd.s32 s3;
	_ =	sdelay $0x1  }
0xa1: {  	s23 =	simm.s32 $0x1B8B  }
0xa2: {  	_ =	swait.ge [sflag:s23], $0x1  }
0xa3: {  	[sflag:s23] =	ssyncset.done $0x0  }
0xa4: {  	s25 =	simm.s32 $0x1B8E;
	s24 =	sld [smem:$0x3FFE];
	[sflag:s23] =	ssyncadd.s32 $0xFFFFFFFF  }
0xa5: {  	s26 =	simm.s32 $execute0_lowered;
	[smem:$0x3FD2] =	sst s25  }
0xa6: {  	s4 =	sshll.u32 s26, $0x1;
	_ =	strace $0x8000004C;
	[dreg:$0x1] =	wrdreg $0xFFFFFFFF  }
0xa7: {  	s28 =	simm.s32 $_size_execute0_lowered;
	s2 =	sadd.s32 s2, s4;
	[dreg:$0x0] =	wrdreg $0x0  }
0xa8: {  	s4 =	sshll.u32 s28, $0x1;
	[dreg:$0x2] =	wrdreg s2  }
0xa9: {  	[dreg:$0x3] =	wrdreg s4  }
0xaa: {  	[dreg:$0x4] =	wrdreg $0xC0  }
0xab: {  	_ =	task [dreg:s6], $0x5FFFF  }
0xac: {  	[dreg:$0x1] =	wrdreg $0xFFFFFFFF  }
0xad: {  	[dreg:$0x0] =	wrdreg $0x60  }
0xae: {  	[dreg:$0x2] =	wrdreg s24  }
0xaf: {  	[dreg:$0x3] =	wrdreg $0x0  }
0xb0: {  	[dreg:$0x4] =	wrdreg $0x9  }
0xb1: {  	_ =	task.clear_ibuf [dreg:s6], $0x5FFFF;
	_ =	strace $0x9000004C  }
0xb2: {  	s29 =	simm.s32 $0x9;
	_ =	strace $0x8000004E  }
0xb3: {  	_ =	swait.ge [sflag:s29], $0x1  }
0xb4: {  	[sflag:s29] =	ssyncadd.s32 $0xFFFFFFFF  }
0xb5: {  	_ =	strace $0x9000004E  }
0xb6: {  	_ =	sfence  }
0xb7: {  	s30 =	sld [smem:$0x0];
	_ =	sdelay $0x2  }
0xb8: {  	s31 =	sshll.u32 s1, $0xD;
	s1 =	sshrl.u32 s1, $0x2  }
0xb9: {  	s3 =	sand.u32 $0x4000, s31;
	s1 =	sadd.s32 s1, s30  }
0xba: {  	s0 =	sor.u32 s3, s0;
	s1 =	sshll.u32 s1, $0x11  }
0xbb: {  	s0 =	sor.u32 s1, s0  }
0xbc: {  	s0 =	sadd.s32 $0x8F2B, s0  }
0xbd: {  	[sflag:s0] =	ssyncadd.remote.s32 $0x1  }
0xbe: {  	_ =	sfence.sel $0xFFFF  }
0xbf: {  	[dreg:$0x0] =	wrdreg $0xFFFFFFFF;
	(pc) =	sbr.abs _section_cstart, $3  }
0xc0: {  	[dreg:$0x1] =	wrdreg $0xFFFFFFFF  }
0xc1: {  	_ =	task.clear_ibuf [dreg:s6], $0x2FFFF;
	_ =	strace $0x9FFFFFFF  }
0xc2: {  	(tm) =	ssettm $0x7FFFFFFF  }
0xc3: {  	_ =	shalt  }
tec
execute0_lowered:
.L_overlay_start_1:
0x0: {  	(tag) =	ssettag $0x1  }
0x1: {  	s0 =	rddreg [dreg:$0x0]  }
0x2: {  	s1 =	rddreg [dreg:$0x1];
	s2 =	srdreg.scid  }
0x3: {  	s3 =	simm.s32 $0x0;
	s8 =	stileid.u32;
	s14 =	simm.s32 $0x12000  }
0x4: {  	s15 =	simm.s32 $0x3;
	s16 =	simm.s32 $0x1A000;
	s17 =	simm.s32 $0x1B400  }
0x5: {  	s18 =	simm.s32 $0x200;
	s19 =	simm.s32 $0xA000;
	s20 =	simm.s32 $0x1  }
0x6: {  	s22 =	simm.s32 $0x4;
	s28 =	simm.s32 $0x1C200;
	s29 =	simm.s32 $0x1B200  }
0x7: {  	s30 =	simm.s32 $0x1C400;
	s31 =	simm.s32 $0x1C600;
	s7 =	smul.u32 $0x14000, s8  }
0x8: {  	s21 =	simm.s32 $0x0;
	s2 =	sand.u32 $0x1, s2;
	s23 =	smul.u32 $0x28000, s8  }
0x9: {  	[smem:$0x7FF] =	sst s3;
	s4 =	sshll.u32 s2, $0x4;
	s5 =	smul.u32 $0x140000, s2  }
0xa: {  	_ =	strace $0x8000004D;
	s2 =	ssub.s32 $0x2, s2;
	s6 =	sor.u32 s8, s4  }
0xb: {  	s4 =	sadd.s32 $0xD000, s0;
	s25 =	sshrl.u32 s2, $0x1;
	s26 =	sshrl.u32 s23, $0x2  }
0xc: {  	s6 =	smul.u32 $0x280, s6;
	s5 =	sadd.s32 s7, s5;
	s2 =	ssub.s32 s2, s25  }
0xd: {  	s23 =	simm.s32 $0x2;
	s5 =	sshrl.u32 s5, $0x3;
	s9 =	smax.u32 s2, $0x1  }
0xe: {  	s2 =	simm.s32 $0x8;
	s24 =	sadd.s32 s6, s0;
	s0 =	sadd.s32 s5, s0  }
0xf: {  	s5 =	sadd.s32 s26, s1;
	s6 =	sadd.s32 $0x8000, s24;
	s7 =	sadd.s32 $0x3000, s24  }
0x10: {  	s8 =	sadd.s32 $0x20A00, s0;
	s10 =	sadd.s32 $0x2000, s5;
	s11 =	sadd.s32 $0x4000, s5  }
0x11: {  	v0 =	vimm.f32 $0.0e+00;
	s12 =	sadd.s32 $0x6000, s5;
	s13 =	sadd.s32 $0x8000, s5;
	s0 =	simm.s32 $0x10  }
.LBB2_1:
0x12: {  	s25 =	simm.s32 $0x100;
	s24 =	simm.s32 $0x0  }
.LBB2_2:
0x13: {  	p0 =	sne.s32 s25, $0x1FF00;
	[tilespmem:s24+$0x12030] =	vst v0;
	s26 =	smov.u32 s25;
	s25 =	sadd.s32 $0x100, s25  }
.Ltmp0:
0x14: {  	[tilespmem:s24+$0x12020] =	vst v0;
	(pc) =	sbr.rel @p0 .LBB2_2-.Ltmp0, $3  }
0x15: {  	[tilespmem:s24+$0x12000] =	vst v0  }
0x16: {  	[tilespmem:s24+$0x12010] =	vst v0;
	_ =	sdelay $0x1  }
0x17: {  	s24 =	sshra.s32 s26, $0x2  }
0x18: {  	[tilespmem:s24+$0x12030] =	vst v0  }
0x19: {  	[tilespmem:s24+$0x12020] =	vst v0  }
0x1a: {  	[tilespmem:s24+$0x12000] =	vst v0  }
0x1b: {  	[tilespmem:s24+$0x12010] =	vst v0  }
0x1c: {  	[spmem:s5] =	stream.linear.scatter [tilespmem:s14], [sflag:$0x3], $0x2000, $0x38;
	[tilespmem:$0x1C800] =	vst v63  }
0x1d: {  	_ =	swait.ge [sflag:s15], $0x2000  }
0x1e: {  	[sflag:s15] =	ssyncset.done $0x0  }
0x1f: {  	[sflag:s15] =	ssyncadd.s32 $0xFFFFE000  }
0x20: {  	[spmem:s10] =	stream.linear.scatter [tilespmem:s14], [sflag:$0x3], $0x2000, $0x38;
	[tilespmem:$0x1C800] =	vst v63  }
0x21: {  	_ =	swait.ge [sflag:s15], $0x2000  }
0x22: {  	[sflag:s15] =	ssyncset.done $0x0  }
0x23: {  	[sflag:s15] =	ssyncadd.s32 $0xFFFFE000  }
0x24: {  	[spmem:s11] =	stream.linear.scatter [tilespmem:s14], [sflag:$0x3], $0x2000, $0x38;
	[tilespmem:$0x1C800] =	vst v63  }
0x25: {  	_ =	swait.ge [sflag:s15], $0x2000  }
0x26: {  	[sflag:s15] =	ssyncset.done $0x0  }
0x27: {  	[sflag:s15] =	ssyncadd.s32 $0xFFFFE000  }
0x28: {  	[spmem:s12] =	stream.linear.scatter [tilespmem:s14], [sflag:$0x3], $0x2000, $0x38;
	[tilespmem:$0x1C800] =	vst v63  }
0x29: {  	_ =	swait.ge [sflag:s15], $0x2000  }
0x2a: {  	[sflag:s15] =	ssyncset.done $0x0  }
0x2b: {  	[sflag:s15] =	ssyncadd.s32 $0xFFFFE000  }
0x2c: {  	[spmem:s13] =	stream.linear.scatter [tilespmem:s14], [sflag:$0x3], $0x2000, $0x38;
	[tilespmem:$0x1C800] =	vst v63  }
0x2d: {  	_ =	swait.ge [sflag:s15], $0x2000  }
0x2e: {  	[sflag:s15] =	ssyncset.done $0x0  }
0x2f: {  	[sflag:s15] =	ssyncadd.s32 $0xFFFFE000  }
0x30: {  	[tilespmem:s16], [sflag:$0x3] =	stream.linear.gather [hbm4b:s6+s3], $0x1400, $0x38;
	[tilespmem:$0x1C800] =	vst v63  }
0x31: {  	_ =	swait.ge [sflag:s15], $0x1400  }
0x32: {  	[sflag:s15] =	ssyncset.done $0x0  }
0x33: {  	[sflag:s15] =	ssyncadd.s32 $0xFFFFEC00  }
0x34: {  	[tilespmem:s17], [sflag:$0x3] =	stream.linear.gather [hbm4b:s7+s3], $0x1400, $0x38;
	[tilespmem:$0x1C800] =	vst v63  }
0x35: {  	_ =	swait.ge [sflag:s15], $0x1400  }
0x36: {  	[sflag:s15] =	ssyncset.done $0x0  }
0x37: {  	[sflag:s15] =	ssyncadd.s32 $0xFFFFEC00  }
0x38: {  	[bflag:$0x0] =	sbarrier.arrive $0xFFFF  }
0x39: {  	[tilespmem:s19], [sflag:$0x1] =	stream.indirect.gather [hbm4b:s4+s18], $0x40, s16, s18, $0xb8;
	[tilespmem:$0x1C800] =	vst v63  }
0x3a: {  	_ =	swait.ge [sflag:s20], $0x8000  }
0x3b: {  	[sflag:s20] =	ssyncset.done $0x0  }
0x3c: {  	s26 =	simm.s32 $0x1A200;
	[sflag:s20] =	ssyncadd.s32 $0xFFFF8000  }
0x3d: {  	[tilespmem:s14], [sflag:$0x2] =	stream.indirect.gather [hbm4b:s4+s18], $0x40, s26, s18, $0xb8;
	[tilespmem:$0x1C800] =	vst v63  }
0x3e: {  	_ = 	snop  }
0x3f: {  	[spmem:s1] =	stream.indirect.scatter.add.f32 [tilespmem:s19], [sflag:$0x4], $0x40, s17, s18, $0xb8;
	[tilespmem:$0x1C800] =	vst v63  }
0x40: {  	_ =	swait.ge [sflag:s22], $0x8000  }
0x41: {  	[sflag:s22] =	ssyncset.done $0x0  }
0x42: {  	[sflag:s22] =	ssyncadd.s32 $0xFFFF8000  }
0x43: {  	_ =	swait.ge [sflag:s23], $0x8000  }
0x44: {  	[sflag:s23] =	ssyncset.done $0x0  }
0x45: {  	s25 =	simm.s32 $0x1A400;
	[sflag:s23] =	ssyncadd.s32 $0xFFFF8000  }
0x46: {  	[tilespmem:s19], [sflag:$0x1] =	stream.indirect.gather [hbm4b:s4+s18], $0x40, s25, s18, $0xb8;
	[tilespmem:$0x1C800] =	vst v63  }
0x47: {  	s26 =	simm.s32 $0x1B600  }
0x48: {  	[spmem:s1] =	stream.indirect.scatter.add.f32 [tilespmem:s14], [sflag:$0x3], $0x40, s26, s18, $0xb8;
	[tilespmem:$0x1C800] =	vst v63  }
0x49: {  	_ =	swait.ge [sflag:s15], $0x8000  }
0x4a: {  	[sflag:s15] =	ssyncset.done $0x0  }
0x4b: {  	[sflag:s15] =	ssyncadd.s32 $0xFFFF8000  }
0x4c: {  	_ =	swait.ge [sflag:s20], $0x8000  }
0x4d: {  	[sflag:s20] =	ssyncset.done $0x0  }
0x4e: {  	s25 =	simm.s32 $0x1A600;
	[sflag:s20] =	ssyncadd.s32 $0xFFFF8000  }
0x4f: {  	[tilespmem:s14], [sflag:$0x2] =	stream.indirect.gather [hbm4b:s4+s18], $0x40, s25, s18, $0xb8;
	[tilespmem:$0x1C800] =	vst v63  }
0x50: {  	s26 =	simm.s32 $0x1B800  }
0x51: {  	[spmem:s1] =	stream.indirect.scatter.add.f32 [tilespmem:s19], [sflag:$0x4], $0x40, s26, s18, $0xb8;
	[tilespmem:$0x1C800] =	vst v63  }
0x52: {  	_ =	swait.ge [sflag:s22], $0x8000  }
0x53: {  	[sflag:s22] =	ssyncset.done $0x0  }
0x54: {  	[sflag:s22] =	ssyncadd.s32 $0xFFFF8000  }
0x55: {  	_ =	swait.ge [sflag:s23], $0x8000  }
0x56: {  	[sflag:s23] =	ssyncset.done $0x0  }
0x57: {  	s25 =	simm.s32 $0x1A800;
	[sflag:s23] =	ssyncadd.s32 $0xFFFF8000  }
0x58: {  	[tilespmem:s19], [sflag:$0x1] =	stream.indirect.gather [hbm4b:s4+s18], $0x40, s25, s18, $0xb8;
	[tilespmem:$0x1C800] =	vst v63  }
0x59: {  	s26 =	simm.s32 $0x1BA00  }
0x5a: {  	[spmem:s1] =	stream.indirect.scatter.add.f32 [tilespmem:s14], [sflag:$0x3], $0x40, s26, s18, $0xb8;
	[tilespmem:$0x1C800] =	vst v63  }
0x5b: {  	_ =	swait.ge [sflag:s15], $0x8000  }
0x5c: {  	[sflag:s15] =	ssyncset.done $0x0  }
0x5d: {  	[sflag:s15] =	ssyncadd.s32 $0xFFFF8000  }
0x5e: {  	_ =	swait.ge [sflag:s20], $0x8000  }
0x5f: {  	[sflag:s20] =	ssyncset.done $0x0  }
0x60: {  	s25 =	simm.s32 $0x1AA00;
	[sflag:s20] =	ssyncadd.s32 $0xFFFF8000  }
0x61: {  	[tilespmem:s14], [sflag:$0x2] =	stream.indirect.gather [hbm4b:s4+s18], $0x40, s25, s18, $0xb8;
	[tilespmem:$0x1C800] =	vst v63  }
0x62: {  	s26 =	simm.s32 $0x1BC00  }
0x63: {  	[spmem:s1] =	stream.indirect.scatter.add.f32 [tilespmem:s19], [sflag:$0x4], $0x40, s26, s18, $0xb8;
	[tilespmem:$0x1C800] =	vst v63  }
0x64: {  	_ =	swait.ge [sflag:s22], $0x8000  }
0x65: {  	[sflag:s22] =	ssyncset.done $0x0  }
0x66: {  	[sflag:s22] =	ssyncadd.s32 $0xFFFF8000  }
0x67: {  	_ =	swait.ge [sflag:s23], $0x8000  }
0x68: {  	[sflag:s23] =	ssyncset.done $0x0  }
0x69: {  	s25 =	simm.s32 $0x1AC00;
	[sflag:s23] =	ssyncadd.s32 $0xFFFF8000  }
0x6a: {  	[tilespmem:s19], [sflag:$0x1] =	stream.indirect.gather [hbm4b:s4+s18], $0x40, s25, s18, $0xb8;
	[tilespmem:$0x1C800] =	vst v63  }
0x6b: {  	s26 =	simm.s32 $0x1BE00  }
0x6c: {  	[spmem:s1] =	stream.indirect.scatter.add.f32 [tilespmem:s14], [sflag:$0x3], $0x40, s26, s18, $0xb8;
	[tilespmem:$0x1C800] =	vst v63  }
0x6d: {  	_ =	swait.ge [sflag:s15], $0x8000  }
0x6e: {  	[sflag:s15] =	ssyncset.done $0x0  }
0x6f: {  	[sflag:s15] =	ssyncadd.s32 $0xFFFF8000  }
0x70: {  	_ =	swait.ge [sflag:s20], $0x8000  }
0x71: {  	[sflag:s20] =	ssyncset.done $0x0  }
0x72: {  	s25 =	simm.s32 $0x1AE00;
	[sflag:s20] =	ssyncadd.s32 $0xFFFF8000  }
0x73: {  	[tilespmem:s14], [sflag:$0x2] =	stream.indirect.gather [hbm4b:s4+s18], $0x40, s25, s18, $0xb8;
	[tilespmem:$0x1C800] =	vst v63  }
0x74: {  	s26 =	simm.s32 $0x1C000  }
0x75: {  	[spmem:s1] =	stream.indirect.scatter.add.f32 [tilespmem:s19], [sflag:$0x4], $0x40, s26, s18, $0xb8;
	[tilespmem:$0x1C800] =	vst v63  }
0x76: {  	_ =	swait.ge [sflag:s22], $0x8000  }
0x77: {  	[sflag:s22] =	ssyncset.done $0x0  }
0x78: {  	[sflag:s22] =	ssyncadd.s32 $0xFFFF8000  }
0x79: {  	_ =	swait.ge [sflag:s23], $0x8000  }
0x7a: {  	[sflag:s23] =	ssyncset.done $0x0  }
0x7b: {  	s25 =	simm.s32 $0x1B000;
	[sflag:s23] =	ssyncadd.s32 $0xFFFF8000  }
0x7c: {  	[tilespmem:s19], [sflag:$0x1] =	stream.indirect.gather [hbm4b:s4+s18], $0x40, s25, s18, $0xb8;
	[tilespmem:$0x1C800] =	vst v63  }
0x7d: {  	_ = 	snop  }
0x7e: {  	[spmem:s1] =	stream.indirect.scatter.add.f32 [tilespmem:s14], [sflag:$0x3], $0x40, s28, s18, $0xb8;
	[tilespmem:$0x1C800] =	vst v63  }
0x7f: {  	_ =	swait.ge [sflag:s15], $0x8000  }
0x80: {  	[sflag:s15] =	ssyncset.done $0x0  }
0x81: {  	[sflag:s15] =	ssyncadd.s32 $0xFFFF8000  }
0x82: {  	_ =	swait.ge [sflag:s20], $0x8000  }
0x83: {  	[sflag:s20] =	ssyncset.done $0x0  }
0x84: {  	[sflag:s20] =	ssyncadd.s32 $0xFFFF8000  }
0x85: {  	[tilespmem:s14], [sflag:$0x2] =	stream.indirect.gather [hbm4b:s4+s18], $0x40, s29, s18, $0xb8;
	[tilespmem:$0x1C800] =	vst v63  }
0x86: {  	_ = 	snop  }
0x87: {  	[spmem:s1] =	stream.indirect.scatter.add.f32 [tilespmem:s19], [sflag:$0x4], $0x40, s30, s18, $0xb8;
	[tilespmem:$0x1C800] =	vst v63  }
0x88: {  	_ =	swait.ge [sflag:s22], $0x8000  }
0x89: {  	[sflag:s22] =	ssyncset.done $0x0  }
0x8a: {  	[sflag:s22] =	ssyncadd.s32 $0xFFFF8000  }
0x8b: {  	_ =	swait.ge [sflag:s23], $0x8000  }
0x8c: {  	[sflag:s23] =	ssyncset.done $0x0  }
0x8d: {  	[sflag:s23] =	ssyncadd.s32 $0xFFFF8000  }
0x8e: {  	[spmem:s1] =	stream.indirect.scatter.add.f32 [tilespmem:s14], [sflag:$0x3], $0x40, s31, s18, $0xb8;
	[tilespmem:$0x1C800] =	vst v63  }
0x8f: {  	s26 =	stileid.u32;
	_ =	swait.ge [sflag:s15], $0x8000  }
0x90: {  	s21 =	sadd.s32 $0x1, s21;
	s24 =	sshll.u32 s26, $0x6;
	[sflag:s15] =	ssyncset.done $0x0  }
0x91: {  	p0 =	sne.s32 s21, s9;
	s24 =	sor.u32 $0x1C03, s24;
	[sflag:s15] =	ssyncadd.s32 $0xFFFF8000  }
.Ltmp1:
0x92: {  	s25 =	sshrl.u32 s5, $0x3;
	[bflag:$0x0] =	sbarrier.arrive $0xFFFF;
	(pc) =	sbr.rel @p0 .LBB2_1-.Ltmp1, $4  }
0x93: {  	[hbm:s8@s0], [sflag:s24] =	dma.strided [spmem:s25@s2], $0x1400, s20, $0x8   }
0x94: {  	_ =	swait.ge [sflag:s15], $0x1400  }
0x95: {  	[sflag:s15] =	ssyncset.done $0x0  }
0x96: {  	[sflag:s15] =	ssyncadd.s32 $0xFFFFEC00  }
0x97: {  	_ =	sfence.sel $0x180000  }
0x98: {  	[bflag:$0x0] =	sbarrier.arrive $0xFFFF  }
0x99: {  	_ =	strace $0x9000004D  }
0x9a: {  	s0 =	stileid.u32;
	[bflag:$0x2] =	sbarrier.arrive $0xFFFF  }
0x9b: {  	p0 =	sne.s32 s0, $0x0;
	s0 =	rddreg [dreg:$0x2]  }
0x9c: {  	s0 =	sadd.s32 @!p0 $0x100000, s0  }
0x9d: {  	[sflag:s0] =	ssyncadd.tile.s32 @!p0 $0x1;
	_ =	shalt  }
.Lfunc_end2:
_tile_overlayer_lowered:
.L_overlay_start_2:
0x9e: {  	(tag) =	ssettag $0x2  }
0x9f: {  	s0 =	rddreg [dreg:$0x0];
	s2 =	stileid.u32  }
0xa0: {  	s1 =	rddreg [dreg:$0x1];
	p0 =	sne.s32 s2, $0x0  }
0xa1: {  	s3 =	rddreg [dreg:$0x2];
	[bflag:$0x3] =	sbarrier.arrive $0xFFFF;
	s2 =	simm.s32 @!p0 $0x1C03  }
0xa2: {  	[timem:s3], [sflag:s2] =	dma.local @!p0 [hbm:s0], s1  }
0xa3: {  	s0 =	simm.s32 @!p0 $0x3  }
0xa4: {  	_ =	swait.ge @!p0 [sflag:s0], s1  }
0xa5: {  	s1 =	ssub.s32 @!p0 $0x0, s1;
	[sflag:s0] =	ssyncset.done @!p0 $0x0  }
0xa6: {  	[sflag:s0] =	ssyncadd.s32 @!p0 s1  }
0xa7: {  	[bflag:$0x3] =	sbarrier.arrive $0xFFFF  }
0xa8: {  	_ =	shalt  }

// kernel: kernel.19.cloned.1.call-start
scs
__scs_entry_jumppad:
0x0: {  	(pc) =	sbr.rel $0x88, $3  }
0x1: {  	(tag) =	ssettag $0x0;
	lr =	simm.s32 $0x1  }
0x2: {  	[smem:$0x3F95] =	sst lr;
	_ =	strace $0xD0000000  }
0x3: {  	_ = 	snop  }
0x4: {  	_ = 	snop  }
0x5: {  	_ = 	snop  }
0x6: {  	_ = 	snop  }
0x7: {  	_ = 	snop  }
__scs_overlays_trampoline_lowered:
0x8: {  	[smem:$0x3FA4] =	sst s0  }
0x9: {  	[smem:$0x3FA5] =	sst s1  }
0xa: {  	[smem:$0x3FA6] =	sst s2  }
0xb: {  	[smem:$0x3FA7] =	sst s3  }
0xc: {  	[smem:$0x3FA8] =	sst s4  }
0xd: {  	[smem:$0x3FA9] =	sst s5  }
0xe: {  	[smem:$0x3FAA] =	sst s6  }
0xf: {  	[smem:$0x3FAB] =	sst s7  }
0x10: {  	[smem:$0x3FAC] =	sst s8  }
0x11: {  	[smem:$0x3FAD] =	sst s9;
	s0 =	simm.s32 @!p0 $0x0  }
0x12: {  	s1 =	sld [smem:$0x3F93];
	s0 =	simm.s32 @p0 $0x1  }
0x13: {  	[smem:$0x3FAE] =	sst s0;
	s0 =	simm.s32 @!p1 $0x0  }
0x14: {  	s2 =	sld [smem:$0x3F92];
	s0 =	simm.s32 @p1 $0x1  }
0x15: {  	[smem:$0x3FAF] =	sst s0;
	s0 =	simm.s32 @!p2 $0x0  }
0x16: {  	s3 =	sld [smem:$0x3FDB];
	s0 =	simm.s32 @p2 $0x1  }
0x17: {  	s4 =	simm.s32 $0x1BF5;
	[smem:$0x3FB1] =	sst s0  }
0x18: {  	s0 =	sld [smem:$0x3F94];
	_ =	swait.ge [sflag:s4], $0x0  }
0x19: {  	s7 =	sld [smem:$0x3F95]  }
0x1a: {  	s8 =	sadd.s32 $0xFFFFE003, lr  }
0x1b: {  	s9 =	sadd.s32 $0xFFFFFEF7, lr;
	s5 =	simm.s32 $0xFFFFFFFF;
	p2 =	slt.u32 s8, $0xFFFFF086  }
0x1c: {  	p1 =	slt.u32 s9, $0xF7A;
	s5 =	simm.s32 @!p2 $0x0  }
0x1d: {  	s5 =	simm.s32 @p1 $0x1;
	p0 =	seq.s32 s7, s2  }
0x1e: {  	s7 =	smul.u32 @!p0 $0xF7A, s2;
	p2 =	seq.s32 @!p0 s5, $0x0  }
0x1f: {  	s9 =	smul.u32 $0xF7A, s1;
	s8 =	simm.s32 @!p0 $0x1BF5;
	p2 =	por !p2, p0  }
0x20: {  	[sflag:s8] =	ssyncset.s32 @!p0 $0xFFFFF086;
	s6 =	sadd.s32 @!p0 s3, s7;
	s7 =	simm.s32 @!p0 $0x108  }
0x21: {  	s3 =	sadd.s32 s3, s9;
	s6 =	sadd.s32 @!p0 $0x88, s6;
	s7 =	simm.s32 @p2 $0x1082  }
0x22: {  	[simem:s7], [sflag:s8] =	dma.local @!p0 [hbm:s6], $0xF7A  }
0x23: {  	s9 =	sor.u32 $0xD0000000, s2;
	s6 =	simm.s32 $0x108;
	_ =	swait.ge @!p0 [sflag:s8], $0x0  }
0x24: {  	s3 =	sadd.s32 $0x88, s3;
	s6 =	simm.s32 @!p1 $0x1082;
	[sflag:s4] =	ssyncset.s32 $0xFFFFF086  }
0x25: {  	[simem:s6], [sflag:s4] =	dma.local [hbm:s3], $0xF7A  }
0x26: {  	[smem:$0x3F95] =	sst s1;
	(tag) =	ssettag s2;
	_ =	strace s9  }
0x27: {  	s1 =	sld [smem:$0x3FA5]  }
0x28: {  	s2 =	sld [smem:$0x3FA6]  }
0x29: {  	s4 =	sld [smem:$0x3FA8]  }
0x2a: {  	p0 =	seq.s32 s5, $0x0;
	s5 =	sld [smem:$0x3FA9]  }
0x2b: {  	s6 =	sld [smem:$0x3FAA]  }
0x2c: {  	s7 =	sld [smem:$0x3FAB]  }
0x2d: {  	s3 =	simm.s32 $0x108;
	s8 =	sld [smem:$0x3FAC]  }
0x2e: {  	s3 =	simm.s32 @!p0 $0x1082;
	s9 =	sld [smem:$0x3FAD]  }
0x2f: {  	lr =	sadd.s32 s0, s3;
	s0 =	sld [smem:$0x3FA4]  }
0x30: {  	s3 =	sld [smem:$0x3FA7]  }
0x31: {  	[smem:$0x3FB0] =	sst s10  }
0x32: {  	s10 =	sld [smem:$0x3FAE];
	_ =	sdelay $0x3  }
0x33: {  	p0 =	seq.s32 s10, $0x1;
	s10 =	sld [smem:$0x3FB0];
	_ =	sdelay $0x3  }
0x34: {  	[smem:$0x3FB0] =	sst s10  }
0x35: {  	s10 =	sld [smem:$0x3FAF];
	_ =	sdelay $0x3  }
0x36: {  	p1 =	seq.s32 s10, $0x1;
	s10 =	sld [smem:$0x3FB0];
	_ =	sdelay $0x3  }
0x37: {  	[smem:$0x3FB0] =	sst s10  }
0x38: {  	s10 =	sld [smem:$0x3FB1]  }
0x39: {  	_ = 	snop;
	(pc) =	sbr.ind lr, $3  }
0x3a: {  	_ = 	snop  }
0x3b: {  	_ = 	snop  }
0x3c: {  	p2 =	seq.s32 s10, $0x1;
	s10 =	sld [smem:$0x3FB0]  }
0x3d: {  	_ =	shalt  }
0x3e: {  	_ =	shalt  }
0x3f: {  	_ =	shalt  }
0x40: {  	_ =	shalt  }
0x41: {  	_ =	shalt  }
0x42: {  	_ =	shalt  }
0x43: {  	_ =	shalt  }
0x44: {  	_ =	shalt  }
0x45: {  	_ =	shalt  }
0x46: {  	_ =	shalt  }
0x47: {  	_ =	shalt  }
0x48: {  	_ =	shalt  }
0x49: {  	_ =	shalt  }
0x4a: {  	_ =	shalt  }
0x4b: {  	_ =	shalt  }
0x4c: {  	_ =	shalt  }
0x4d: {  	_ =	shalt  }
0x4e: {  	_ =	shalt  }
0x4f: {  	_ =	shalt  }
0x50: {  	_ =	shalt  }
0x51: {  	_ =	shalt  }
0x52: {  	_ =	shalt  }
0x53: {  	_ =	shalt  }
0x54: {  	_ =	shalt  }
0x55: {  	_ =	shalt  }
0x56: {  	_ =	shalt  }
0x57: {  	_ =	shalt  }
0x58: {  	_ =	shalt  }
0x59: {  	_ =	shalt  }
0x5a: {  	_ =	shalt  }
0x5b: {  	_ =	shalt  }
0x5c: {  	_ =	shalt  }
0x5d: {  	_ =	shalt  }
0x5e: {  	_ =	shalt  }
0x5f: {  	_ =	shalt  }
0x60: {  	_ =	shalt  }
0x61: {  	_ =	shalt  }
0x62: {  	_ =	shalt  }
0x63: {  	_ =	shalt  }
0x64: {  	_ =	shalt  }
0x65: {  	_ =	shalt  }
0x66: {  	_ =	shalt  }
0x67: {  	_ =	shalt  }
0x68: {  	_ =	shalt  }
0x69: {  	_ =	shalt  }
0x6a: {  	_ =	shalt  }
0x6b: {  	_ =	shalt  }
0x6c: {  	_ =	shalt  }
0x6d: {  	_ =	shalt  }
0x6e: {  	_ =	shalt  }
0x6f: {  	_ =	shalt  }
0x70: {  	_ =	shalt  }
0x71: {  	_ =	shalt  }
0x72: {  	_ =	shalt  }
0x73: {  	_ =	shalt  }
0x74: {  	_ =	shalt  }
0x75: {  	_ =	shalt  }
0x76: {  	_ =	shalt  }
0x77: {  	_ =	shalt  }
0x78: {  	_ =	shalt  }
0x79: {  	_ =	shalt  }
0x7a: {  	_ =	shalt  }
0x7b: {  	_ =	shalt  }
0x7c: {  	_ =	shalt  }
0x7d: {  	_ =	shalt  }
0x7e: {  	_ =	shalt  }
0x7f: {  	_ =	shalt  }
0x80: {  	_ =	shalt  }
0x81: {  	_ =	shalt  }
0x82: {  	_ =	shalt  }
0x83: {  	_ =	shalt  }
0x84: {  	_ =	shalt  }
0x85: {  	_ =	shalt  }
0x86: {  	_ =	shalt  }
0x87: {  	_ =	shalt  }
.Lfunc_end0:
.L_simem_size_0:
called_computation.3_lowered:
.L_overlay_start_0:
0x88: {  	s2 =	sld [smem:$0x3FD9]  }
0x89: {  	s3 =	sld [smem:$0x3FFE];
	_ =	sdelay $0x1  }
0x8a: {  	s1 =	srdreg.scid  }
0x8b: {  	s0 =	sand.u32 $0x1, s1  }
0x8c: {  	s16 =	sshll.u32 s0, $0xA;
	s2 =	sadd.s32 s3, s2  }
0x8d: {  	s2 =	sadd.s32 s2, s16  }
0x8e: {  	[smem:$0x3FBC] =	sst s2  }
0x8f: {  	_ = 	snop  }
0x90: {  	(tm) =	ssettm $0x1  }
0x91: {  	s17 =	sld [smem:$0x3FFB];
	_ =	sdelay $0x3  }
0x92: {  	_ =	strace s17  }
0x93: {  	s2 =	sld [smem:$0x3FFC];
	_ =	sdelay $0x3  }
0x94: {  	_ =	strace s2  }
0x95: {  	s2 =	sld [smem:$0x3FFD];
	_ =	sdelay $0x3  }
0x96: {  	_ =	strace s2  }
0x97: {  	_ =	strace $0x8FFFFFFF  }
0x98: {  	s18 =	sld [smem:$0x3FDB];
	_ =	sdelay $0x1  }
0x99: {  	s19 =	simm.s32 $_scs_section_size  }
0x9a: {  	s4 =	simm.s32 $_size__tile_overlayer_lowered;
	s5 =	simm.s32 $_tile_overlayer_lowered  }
0x9b: {  	s22 =	simm.s32 $0x1BFF;
	s21 =	sshll.u32 s5, $0x1;
	s2 =	sadd.s32 s19, s18  }
0x9c: {  	s6 =	simm.s32 $0x0;
	s20 =	sshll.u32 s4, $0x1;
	s4 =	sadd.s32 s21, s2  }
0x9d: {  	[timem:s6], [sflag:s22] =	dma.local [hbm:s4], s20  }
0x9e: {  	_ =	swait.ge [sflag:s22], s20  }
0x9f: {  	s3 =	ssub.s32 $0x0, s20;
	[sflag:s22] =	ssyncset.done $0x0  }
0xa0: {  	[sflag:s22] =	ssyncadd.s32 s3;
	_ =	sdelay $0x1  }
0xa1: {  	s23 =	simm.s32 $0x1B8B  }
0xa2: {  	_ =	swait.ge [sflag:s23], $0x1  }
0xa3: {  	[sflag:s23] =	ssyncset.done $0x0  }
0xa4: {  	s25 =	simm.s32 $0x1B8E;
	s24 =	sld [smem:$0x3FFE];
	[sflag:s23] =	ssyncadd.s32 $0xFFFFFFFF  }
0xa5: {  	s26 =	simm.s32 $execute0_lowered;
	[smem:$0x3FD2] =	sst s25  }
0xa6: {  	s4 =	sshll.u32 s26, $0x1;
	_ =	strace $0x8000004F;
	[dreg:$0x1] =	wrdreg $0xFFFFFFFF  }
0xa7: {  	s28 =	simm.s32 $_size_execute0_lowered;
	s2 =	sadd.s32 s2, s4;
	[dreg:$0x0] =	wrdreg $0x0  }
0xa8: {  	s4 =	sshll.u32 s28, $0x1;
	[dreg:$0x2] =	wrdreg s2  }
0xa9: {  	[dreg:$0x3] =	wrdreg s4  }
0xaa: {  	[dreg:$0x4] =	wrdreg $0xC0  }
0xab: {  	_ =	task [dreg:s6], $0x5FFFF  }
0xac: {  	[dreg:$0x1] =	wrdreg $0xFFFFFFFF  }
0xad: {  	[dreg:$0x0] =	wrdreg $0x60  }
0xae: {  	[dreg:$0x2] =	wrdreg s24  }
0xaf: {  	[dreg:$0x3] =	wrdreg $0x0  }
0xb0: {  	[dreg:$0x4] =	wrdreg $0x9  }
0xb1: {  	_ =	task.clear_ibuf [dreg:s6], $0x5FFFF;
	_ =	strace $0x9000004F  }
0xb2: {  	s29 =	simm.s32 $0x9;
	_ =	strace $0x80000051  }
0xb3: {  	_ =	swait.ge [sflag:s29], $0x1  }
0xb4: {  	[sflag:s29] =	ssyncadd.s32 $0xFFFFFFFF  }
0xb5: {  	_ =	strace $0x90000051  }
0xb6: {  	_ =	sfence  }
0xb7: {  	s30 =	sld [smem:$0x0];
	_ =	sdelay $0x2  }
0xb8: {  	s31 =	sshll.u32 s1, $0xD;
	s1 =	sshrl.u32 s1, $0x2  }
0xb9: {  	s3 =	sand.u32 $0x4000, s31;
	s1 =	sadd.s32 s1, s30  }
0xba: {  	s0 =	sor.u32 s3, s0;
	s1 =	sshll.u32 s1, $0x11  }
0xbb: {  	s0 =	sor.u32 s1, s0  }
0xbc: {  	s0 =	sadd.s32 $0x8F2B, s0  }
0xbd: {  	[sflag:s0] =	ssyncadd.remote.s32 $0x1  }
0xbe: {  	_ =	sfence.sel $0xFFFF  }
0xbf: {  	[dreg:$0x0] =	wrdreg $0xFFFFFFFF;
	(pc) =	sbr.abs _section_cstart, $3  }
0xc0: {  	[dreg:$0x1] =	wrdreg $0xFFFFFFFF  }
0xc1: {  	_ =	task.clear_ibuf [dreg:s6], $0x2FFFF;
	_ =	strace $0x9FFFFFFF  }
0xc2: {  	(tm) =	ssettm $0x7FFFFFFF  }
0xc3: {  	_ =	shalt  }
tec
execute0_lowered:
.L_overlay_start_1:
0x0: {  	(tag) =	ssettag $0x1  }
0x1: {  	s0 =	srdreg.scid;
	s5 =	rddreg [dreg:$0x0]  }
0x2: {  	s8 =	stileid.u32;
	s2 =	rddreg [dreg:$0x1]  }
0x3: {  	s3 =	simm.s32 $0x0;
	s14 =	simm.s32 $0x6800;
	s15 =	simm.s32 $0x3  }
0x4: {  	s16 =	simm.s32 $0xA800;
	s17 =	simm.s32 $0xBC00;
	s18 =	simm.s32 $0x400  }
0x5: {  	s19 =	simm.s32 $0x2800;
	s20 =	simm.s32 $0x1;
	s22 =	simm.s32 $0x4  }
0x6: {  	s23 =	simm.s32 $0x2;
	s25 =	simm.s32 $0xC000;
	s28 =	simm.s32 $0xC400  }
0x7: {  	s29 =	simm.s32 $0xB800;
	s30 =	simm.s32 $0xC800;
	s31 =	simm.s32 $0xCC00  }
0x8: {  	s0 =	sand.u32 $0x1, s0;
	[smem:$0x7FF] =	sst s3;
	s7 =	smul.u32 $0x14000, s8  }
0x9: {  	s4 =	sadd.s32 $0xD000, s5;
	s1 =	sshll.u32 s0, $0x4;
	s6 =	smul.u32 $0x140000, s0  }
0xa: {  	s0 =	ssub.s32 $0x2, s0;
	s1 =	sor.u32 s8, s1;
	s8 =	smul.u32 $0xA000, s8  }
0xb: {  	_ =	strace $0x80000050;
	s26 =	sshrl.u32 s0, $0x1;
	s1 =	smul.u32 $0x280, s1  }
0xc: {  	s6 =	sadd.s32 s7, s6;
	s0 =	ssub.s32 s0, s26;
	s26 =	simm.s32 $0xB400  }
0xd: {  	s6 =	sshrl.u32 s6, $0x3;
	s8 =	sshrl.u32 s8, $0x2;
	s1 =	sadd.s32 s1, s5  }
0xe: {  	s9 =	sadd.s32 s6, s5;
	s5 =	sadd.s32 s8, s2;
	s6 =	sadd.s32 $0x8000, s1  }
0xf: {  	s7 =	sadd.s32 $0x3000, s1;
	s8 =	sadd.s32 $0x12000, s9;
	s9 =	smax.u32 s0, $0x1  }
0x10: {  	s10 =	sadd.s32 $0x800, s5;
	s11 =	sadd.s32 $0x1000, s5;
	s12 =	sadd.s32 $0x1800, s5  }
0x11: {  	v0 =	vimm.f32 $0.0e+00;
	s13 =	sadd.s32 $0x2000, s5;
	s1 =	simm.s32 $0x10;
	s0 =	simm.s32 $0x0  }
.LBB2_1:
0x12: {  	s21 =	simm.s32 $0x40;
	s24 =	simm.s32 $0x0  }
.LBB2_2:
0x13: {  	p0 =	sne.s32 s21, $0xFFC0;
	[tilespmem:s24+$0x6800] =	vst v0;
	s24 =	smov.u32 s21;
	s21 =	sadd.s32 $0x40, s21  }
.Ltmp0:
0x14: {  	(pc) =	sbr.rel @p0 .LBB2_2-.Ltmp0, $2  }
0x15: {  	_ =	sdelay $0x2  }
0x16: {  	s24 =	sshra.s32 s24, $0x2  }
0x17: {  	[tilespmem:s24+$0x6800] =	vst v0  }
0x18: {  	[spmem:s5] =	stream.linear.scatter [tilespmem:s14], [sflag:$0x3], $0x800, $0x38;
	[tilespmem:$0xD000] =	vst v63  }
0x19: {  	_ =	swait.ge [sflag:s15], $0x800  }
0x1a: {  	[sflag:s15] =	ssyncset.done $0x0  }
0x1b: {  	[sflag:s15] =	ssyncadd.s32 $0xFFFFF800  }
0x1c: {  	[spmem:s10] =	stream.linear.scatter [tilespmem:s14], [sflag:$0x3], $0x800, $0x38;
	[tilespmem:$0xD000] =	vst v63  }
0x1d: {  	_ =	swait.ge [sflag:s15], $0x800  }
0x1e: {  	[sflag:s15] =	ssyncset.done $0x0  }
0x1f: {  	[sflag:s15] =	ssyncadd.s32 $0xFFFFF800  }
0x20: {  	[spmem:s11] =	stream.linear.scatter [tilespmem:s14], [sflag:$0x3], $0x800, $0x38;
	[tilespmem:$0xD000] =	vst v63  }
0x21: {  	_ =	swait.ge [sflag:s15], $0x800  }
0x22: {  	[sflag:s15] =	ssyncset.done $0x0  }
0x23: {  	[sflag:s15] =	ssyncadd.s32 $0xFFFFF800  }
0x24: {  	[spmem:s12] =	stream.linear.scatter [tilespmem:s14], [sflag:$0x3], $0x800, $0x38;
	[tilespmem:$0xD000] =	vst v63  }
0x25: {  	_ =	swait.ge [sflag:s15], $0x800  }
0x26: {  	[sflag:s15] =	ssyncset.done $0x0  }
0x27: {  	[sflag:s15] =	ssyncadd.s32 $0xFFFFF800  }
0x28: {  	[spmem:s13] =	stream.linear.scatter [tilespmem:s14], [sflag:$0x3], $0x800, $0x38;
	[tilespmem:$0xD000] =	vst v63  }
0x29: {  	_ =	swait.ge [sflag:s15], $0x800  }
0x2a: {  	[sflag:s15] =	ssyncset.done $0x0  }
0x2b: {  	[sflag:s15] =	ssyncadd.s32 $0xFFFFF800  }
0x2c: {  	[tilespmem:s16], [sflag:$0x3] =	stream.linear.gather [hbm4b:s6+s3], $0x1400, $0x38;
	[tilespmem:$0xD000] =	vst v63  }
0x2d: {  	_ =	swait.ge [sflag:s15], $0x1400  }
0x2e: {  	[sflag:s15] =	ssyncset.done $0x0  }
0x2f: {  	[sflag:s15] =	ssyncadd.s32 $0xFFFFEC00  }
0x30: {  	[tilespmem:s17], [sflag:$0x3] =	stream.linear.gather [hbm4b:s7+s3], $0x1400, $0x38;
	[tilespmem:$0xD000] =	vst v63  }
0x31: {  	_ =	swait.ge [sflag:s15], $0x1400  }
0x32: {  	[sflag:s15] =	ssyncset.done $0x0  }
0x33: {  	[sflag:s15] =	ssyncadd.s32 $0xFFFFEC00  }
0x34: {  	[bflag:$0x0] =	sbarrier.arrive $0xFFFF  }
0x35: {  	[tilespmem:s19], [sflag:$0x1] =	stream.indirect.gather [hbm4b:s4+s18], $0x10, s16, s18, $0xb8;
	[tilespmem:$0xD000] =	vst v63  }
0x36: {  	_ =	swait.ge [sflag:s20], $0x4000  }
0x37: {  	[sflag:s20] =	ssyncset.done $0x0  }
0x38: {  	s21 =	simm.s32 $0xAC00;
	[sflag:s20] =	ssyncadd.s32 $0xFFFFC000  }
0x39: {  	[tilespmem:s14], [sflag:$0x2] =	stream.indirect.gather [hbm4b:s4+s18], $0x10, s21, s18, $0xb8;
	[tilespmem:$0xD000] =	vst v63  }
0x3a: {  	_ = 	snop  }
0x3b: {  	[spmem:s2] =	stream.indirect.scatter.add.f32 [tilespmem:s19], [sflag:$0x4], $0x10, s17, s18, $0xb8;
	[tilespmem:$0xD000] =	vst v63  }
0x3c: {  	_ =	swait.ge [sflag:s22], $0x4000  }
0x3d: {  	[sflag:s22] =	ssyncset.done $0x0  }
0x3e: {  	[sflag:s22] =	ssyncadd.s32 $0xFFFFC000  }
0x3f: {  	_ =	swait.ge [sflag:s23], $0x4000  }
0x40: {  	[sflag:s23] =	ssyncset.done $0x0  }
0x41: {  	s24 =	simm.s32 $0xB000;
	[sflag:s23] =	ssyncadd.s32 $0xFFFFC000  }
0x42: {  	[tilespmem:s19], [sflag:$0x1] =	stream.indirect.gather [hbm4b:s4+s18], $0x10, s24, s18, $0xb8;
	[tilespmem:$0xD000] =	vst v63  }
0x43: {  	_ = 	snop  }
0x44: {  	[spmem:s2] =	stream.indirect.scatter.add.f32 [tilespmem:s14], [sflag:$0x3], $0x10, s25, s18, $0xb8;
	[tilespmem:$0xD000] =	vst v63  }
0x45: {  	_ =	swait.ge [sflag:s15], $0x4000  }
0x46: {  	[sflag:s15] =	ssyncset.done $0x0  }
0x47: {  	[sflag:s15] =	ssyncadd.s32 $0xFFFFC000  }
0x48: {  	_ =	swait.ge [sflag:s20], $0x4000  }
0x49: {  	[sflag:s20] =	ssyncset.done $0x0  }
0x4a: {  	[sflag:s20] =	ssyncadd.s32 $0xFFFFC000  }
0x4b: {  	[tilespmem:s14], [sflag:$0x2] =	stream.indirect.gather [hbm4b:s4+s18], $0x10, s26, s18, $0xb8;
	[tilespmem:$0xD000] =	vst v63  }
0x4c: {  	_ = 	snop  }
0x4d: {  	[spmem:s2] =	stream.indirect.scatter.add.f32 [tilespmem:s19], [sflag:$0x4], $0x10, s28, s18, $0xb8;
	[tilespmem:$0xD000] =	vst v63  }
0x4e: {  	_ =	swait.ge [sflag:s22], $0x4000  }
0x4f: {  	[sflag:s22] =	ssyncset.done $0x0  }
0x50: {  	[sflag:s22] =	ssyncadd.s32 $0xFFFFC000  }
0x51: {  	_ =	swait.ge [sflag:s23], $0x4000  }
0x52: {  	[sflag:s23] =	ssyncset.done $0x0  }
0x53: {  	[sflag:s23] =	ssyncadd.s32 $0xFFFFC000  }
0x54: {  	[tilespmem:s19], [sflag:$0x1] =	stream.indirect.gather [hbm4b:s4+s18], $0x10, s29, s18, $0xb8;
	[tilespmem:$0xD000] =	vst v63  }
0x55: {  	_ = 	snop  }
0x56: {  	[spmem:s2] =	stream.indirect.scatter.add.f32 [tilespmem:s14], [sflag:$0x3], $0x10, s30, s18, $0xb8;
	[tilespmem:$0xD000] =	vst v63  }
0x57: {  	_ =	swait.ge [sflag:s15], $0x4000  }
0x58: {  	[sflag:s15] =	ssyncset.done $0x0  }
0x59: {  	[sflag:s15] =	ssyncadd.s32 $0xFFFFC000  }
0x5a: {  	_ =	swait.ge [sflag:s20], $0x4000  }
0x5b: {  	[sflag:s20] =	ssyncset.done $0x0  }
0x5c: {  	[sflag:s20] =	ssyncadd.s32 $0xFFFFC000  }
0x5d: {  	[spmem:s2] =	stream.indirect.scatter.add.f32 [tilespmem:s19], [sflag:$0x4], $0x10, s31, s18, $0xb8;
	[tilespmem:$0xD000] =	vst v63  }
0x5e: {  	s0 =	sadd.s32 $0x1, s0;
	_ =	swait.ge [sflag:s22], $0x4000  }
0x5f: {  	p0 =	sne.s32 s0, s9;
	s24 =	stileid.u32;
	[sflag:s22] =	ssyncset.done $0x0  }
0x60: {  	s21 =	sshll.u32 s24, $0x6;
	s24 =	sshrl.u32 s5, $0x3;
	[sflag:s22] =	ssyncadd.s32 $0xFFFFC000  }
.Ltmp1:
0x61: {  	s21 =	sor.u32 $0x1C03, s21;
	[bflag:$0x0] =	sbarrier.arrive $0xFFFF;
	(pc) =	sbr.rel @p0 .LBB2_1-.Ltmp1, $4  }
0x62: {  	[hbm:s8@s1], [sflag:s21] =	dma.strided [spmem:s24@s23], $0x500, s20, $0x2   }
0x63: {  	_ =	swait.ge [sflag:s15], $0x500  }
0x64: {  	[sflag:s15] =	ssyncset.done $0x0  }
0x65: {  	[sflag:s15] =	ssyncadd.s32 $0xFFFFFB00  }
0x66: {  	_ =	sfence.sel $0x180000  }
0x67: {  	[bflag:$0x0] =	sbarrier.arrive $0xFFFF  }
0x68: {  	_ =	strace $0x90000050  }
0x69: {  	s0 =	stileid.u32;
	[bflag:$0x2] =	sbarrier.arrive $0xFFFF  }
0x6a: {  	p0 =	sne.s32 s0, $0x0;
	s0 =	rddreg [dreg:$0x2]  }
0x6b: {  	s0 =	sadd.s32 @!p0 $0x100000, s0  }
0x6c: {  	[sflag:s0] =	ssyncadd.tile.s32 @!p0 $0x1;
	_ =	shalt  }
.Lfunc_end2:
_tile_overlayer_lowered:
.L_overlay_start_2:
0x6d: {  	(tag) =	ssettag $0x2  }
0x6e: {  	s0 =	rddreg [dreg:$0x0];
	s2 =	stileid.u32  }
0x6f: {  	s1 =	rddreg [dreg:$0x1];
	p0 =	sne.s32 s2, $0x0  }
0x70: {  	s3 =	rddreg [dreg:$0x2];
	[bflag:$0x3] =	sbarrier.arrive $0xFFFF;
	s2 =	simm.s32 @!p0 $0x1C03  }
0x71: {  	[timem:s3], [sflag:s2] =	dma.local @!p0 [hbm:s0], s1  }
0x72: {  	s0 =	simm.s32 @!p0 $0x3  }
0x73: {  	_ =	swait.ge @!p0 [sflag:s0], s1  }
0x74: {  	s1 =	ssub.s32 @!p0 $0x0, s1;
	[sflag:s0] =	ssyncset.done @!p0 $0x0  }
0x75: {  	[sflag:s0] =	ssyncadd.s32 @!p0 s1  }
0x76: {  	[bflag:$0x3] =	sbarrier.arrive $0xFFFF  }
0x77: {  	_ =	shalt  }

</sc_bundles>
